<compile_context>
chip_gen: v7x
topology: tpu7x:2x2x1
jax: 0.10.2.dev20260603
libtpu: 0.0.44.dev20260713+nightly
codegen_flags: <defaults>
</compile_context>

<pallas_src>
import functools

import jax
import jax.numpy as jnp
from jax import lax
from jax.experimental import pallas as pl
from jax.experimental.pallas import tpu as pltpu
from jax.experimental.pallas import tpu_sc as plsc

_NS = 16
_QT = 256
_RT = 128
_DP = 128
_I32MAX = 2147483647



def _fps_kernel(x_ref, y_ref, z_ref, o_ref, *, npoint):
    x = x_ref[...]
    y = y_ref[...]
    z = z_ref[...]
    nb, rows, cols = x.shape
    iota_p = (lax.broadcasted_iota(jnp.int32, (nb, rows, cols), 1) * cols
              + lax.broadcasted_iota(jnp.int32, (nb, rows, cols), 2))
    qrows = npoint // cols
    iota_q = (lax.broadcasted_iota(jnp.int32, (qrows, cols), 0) * cols
              + lax.broadcasted_iota(jnp.int32, (qrows, cols), 1))

    def body(i, state):
        dist, far, ax, ay, az = state
        sel = iota_p == far
        cx = jnp.sum(jnp.where(sel, x, 0.0), axis=(1, 2), keepdims=True)
        cy = jnp.sum(jnp.where(sel, y, 0.0), axis=(1, 2), keepdims=True)
        cz = jnp.sum(jnp.where(sel, z, 0.0), axis=(1, 2), keepdims=True)
        selq = (iota_q == i)[None]
        ax = jnp.where(selq, cx, ax)
        ay = jnp.where(selq, cy, ay)
        az = jnp.where(selq, cz, az)
        dx = x - cx
        dy = y - cy
        dz = z - cz
        d = (dx * dx + dz * dz) + dy * dy
        dist = jnp.minimum(dist, d)
        m = jnp.max(dist, axis=(1, 2), keepdims=True)
        far = jnp.min(jnp.where(dist == m, iota_p, _I32MAX),
                      axis=(1, 2), keepdims=True)
        return dist, far, ax, ay, az

    dist0 = jnp.full((nb, rows, cols), 1e10, dtype=jnp.float32)
    acc0 = jnp.zeros((nb, qrows, cols), dtype=jnp.float32)
    far0 = jnp.zeros((nb, 1, 1), dtype=jnp.int32)
    _, _, ax, ay, az = lax.fori_loop(
        0, npoint, body, (dist0, far0, acc0, acc0, acc0))
    o_ref[:, 0] = ax
    o_ref[:, 1] = ay
    o_ref[:, 2] = az


def _run_fps(xyz):
    B, N, _ = xyz.shape
    npoint = N // 4
    cols = 128
    rows = N // cols
    xr = xyz[:, :, 0].reshape(B, rows, cols)
    yr = xyz[:, :, 1].reshape(B, rows, cols)
    zr = xyz[:, :, 2].reshape(B, rows, cols)
    spec = pl.BlockSpec((B, rows, cols), lambda: (0, 0, 0))
    out = pl.pallas_call(
        functools.partial(_fps_kernel, npoint=npoint),
        in_specs=[spec, spec, spec],
        out_specs=pl.BlockSpec((B, 3, npoint // cols, cols),
                               lambda: (0, 0, 0, 0)),
        out_shape=jax.ShapeDtypeStruct((B, 3, npoint // cols, cols),
                                       jnp.float32),
    )(xr, yr, zr)
    return out.reshape(B, 3, npoint).transpose(0, 2, 1)



def _knn_kernel(q_ref, p_ref, o_ref, *, n):
    qx = q_ref[0, :, 0:1]
    qy = q_ref[0, :, 1:2]
    qz = q_ref[0, :, 2:3]
    px = p_ref[0, 0:1, :]
    py = p_ref[0, 1:2, :]
    pz = p_ref[0, 2:3, :]
    q2 = qx * qx + qy * qy + qz * qz
    p2 = px * px + py * py + pz * pz
    qxb = qx.astype(jnp.bfloat16).astype(jnp.float32)
    qyb = qy.astype(jnp.bfloat16).astype(jnp.float32)
    qzb = qz.astype(jnp.bfloat16).astype(jnp.float32)
    pxb = px.astype(jnp.bfloat16).astype(jnp.float32)
    pyb = py.astype(jnp.bfloat16).astype(jnp.float32)
    pzb = pz.astype(jnp.bfloat16).astype(jnp.float32)
    dot = qxb * pxb + qyb * pyb + qzb * pzb
    d = (-2.0 * dot + q2) + p2
    iota_l = lax.broadcasted_iota(jnp.int32, d.shape, 1)
    b = pl.program_id(0)
    cols = []
    for _ in range(_NS):
        m = jnp.min(d, axis=1, keepdims=True)
        cand = jnp.where(d == m, iota_l, _I32MAX)
        ij = jnp.min(cand, axis=1, keepdims=True)
        cols.append(ij)
        d = jnp.where(iota_l == ij, jnp.inf, d)
    idx = jnp.concatenate(cols, axis=1) + b * n
    o_ref[0] = idx


def _run_knn(new_xyz, xyz):
    B, N, _ = xyz.shape
    npoint = new_xyz.shape[1]
    xyz_t = xyz.transpose(0, 2, 1)
    out = pl.pallas_call(
        functools.partial(_knn_kernel, n=N),
        grid=(B, npoint // _QT),
        in_specs=[
            pl.BlockSpec((1, _QT, 3), lambda b, t: (b, t, 0)),
            pl.BlockSpec((1, 3, N), lambda b, t: (b, 0, 0)),
        ],
        out_specs=pl.BlockSpec((1, _QT, _NS), lambda b, t: (b, t, 0)),
        out_shape=jax.ShapeDtypeStruct((B, npoint, _NS), jnp.int32),
    )(new_xyz, xyz_t)
    return out.reshape(B * npoint * _NS)



def _sc_gather(table, idx):
    M = idx.shape[0]
    info = plsc.get_sparse_core_info()
    nw = info.num_cores * info.num_subcores
    chunk = 128
    per_w = M // nw
    nchunks = per_w // chunk
    mesh = plsc.VectorSubcoreMesh(core_axis_name="c", subcore_axis_name="s")

    @functools.partial(
        pl.kernel,
        out_type=jax.ShapeDtypeStruct((M, _DP), jnp.float32),
        mesh=mesh,
        scratch_types=[
            pltpu.VMEM((chunk,), jnp.int32),
            pltpu.VMEM((chunk, _DP), jnp.float32),
            pltpu.SemaphoreType.DMA,
        ],
    )
    def gather_k(tab_hbm, idx_hbm, out_hbm, idx_v, rows_v, sem):
        wid = lax.axis_index("s") * info.num_cores + lax.axis_index("c")
        base = wid * per_w

        def body(t, carry):
            off = base + t * chunk
            pltpu.sync_copy(idx_hbm.at[pl.ds(off, chunk)], idx_v)
            pltpu.async_copy(tab_hbm.at[idx_v], rows_v, sem).wait()
            pltpu.sync_copy(rows_v, out_hbm.at[pl.ds(off, chunk)])
            return carry

        lax.fori_loop(0, nchunks, body, 0)

    return gather_k(table, idx)



def _compute_g(x_ref, q_ref, w_ref):
    w = w_ref[...]
    xb = x_ref[...]
    qb = q_ref[...]
    g = jnp.dot(xb, w, preferred_element_type=jnp.float32)
    qw = jnp.dot(qb, w[0:3, :], preferred_element_type=jnp.float32)
    qw16 = jnp.broadcast_to(qw[:, None, :],
                            (qb.shape[0], _NS, w.shape[1]))
    g = g - qw16.reshape(qb.shape[0] * _NS, w.shape[1])
    return g


def _bn_stats_kernel(x_ref, q_ref, w_ref, o_ref):
    step = pl.program_id(0)

    @pl.when(step == 0)
    def _():
        o_ref[...] = jnp.zeros_like(o_ref)

    g = _compute_g(x_ref, q_ref, w_ref)
    s1 = jnp.sum(g, axis=0, keepdims=True)
    s2 = jnp.sum(g * g, axis=0, keepdims=True)
    pad = jnp.zeros((6, g.shape[1]), dtype=jnp.float32)
    o_ref[...] += jnp.concatenate([s1, s2, pad], axis=0)


def _bn_main_kernel(x_ref, q_ref, w_ref, s_ref, gam_ref, bet_ref, o_ref, *,
                    m_total):
    g = _compute_g(x_ref, q_ref, w_ref)
    inv_m = 1.0 / m_total
    mean = s_ref[0:1, :] * inv_m
    var = s_ref[1:2, :] * inv_m - mean * mean
    a = gam_ref[...] / jnp.sqrt(var + 1e-5)
    b = bet_ref[...] - mean * a
    h = jnp.maximum(g * a + b, 0.0)
    h3 = h.reshape(g.shape[0] // _NS, _NS, g.shape[1])
    o_ref[...] = jnp.max(h3, axis=1)


def _run_mlp(x_rows, q_flat, w_pad, gamma, beta):
    rows, dout = x_rows.shape[0], w_pad.shape[1]
    nq = q_flat.shape[0]
    nsteps = nq // _RT
    xspec = pl.BlockSpec((_RT * _NS, _DP), lambda t: (t, 0))
    qspec = pl.BlockSpec((_RT, 3), lambda t: (t, 0))
    wspec = pl.BlockSpec((_DP, dout), lambda t: (0, 0))
    stats = pl.pallas_call(
        _bn_stats_kernel,
        grid=(nsteps,),
        in_specs=[xspec, qspec, wspec],
        out_specs=pl.BlockSpec((8, dout), lambda t: (0, 0)),
        out_shape=jax.ShapeDtypeStruct((8, dout), jnp.float32),
    )(x_rows, q_flat, w_pad)
    out = pl.pallas_call(
        functools.partial(_bn_main_kernel, m_total=float(rows)),
        grid=(nsteps,),
        in_specs=[
            xspec, qspec, wspec,
            pl.BlockSpec((8, dout), lambda t: (0, 0)),
            pl.BlockSpec((1, dout), lambda t: (0, 0)),
            pl.BlockSpec((1, dout), lambda t: (0, 0)),
        ],
        out_specs=pl.BlockSpec((_RT, dout), lambda t: (t, 0)),
        out_shape=jax.ShapeDtypeStruct((nq, dout), jnp.float32),
    )(x_rows, q_flat, w_pad, stats, gamma.reshape(1, dout),
      beta.reshape(1, dout))
    return out



def kernel(xyz, features, W, gamma, beta):
    B, N, _ = xyz.shape
    npoint = N // 4

    new_xyz = _run_fps(xyz)
    idx_flat = _run_knn(new_xyz, xyz)

    cin = features.shape[-1]
    table = jnp.concatenate(
        [xyz, features,
         jnp.zeros((B, N, _DP - 3 - cin), dtype=jnp.float32)],
        axis=-1).reshape(B * N, _DP)
    x_rows = _sc_gather(table, idx_flat)

    w_pad = jnp.concatenate(
        [W, jnp.zeros((_DP - W.shape[0], W.shape[1]), dtype=W.dtype)], axis=0)
    q_flat = new_xyz.reshape(B * npoint, 3)
    feats = _run_mlp(x_rows, q_flat, w_pad, gamma, beta)
    return new_xyz, feats.reshape(B, npoint, W.shape[1])

# --- scband reference (transcript-rebuilt; emitter-appended) ---
"""Pipeline reference for scband-transition-down-42520176231040 (READ-ONLY COPY).

The authoritative reference and input builder live on the scoring server;
editing this copy changes nothing except your own understanding.
"""

import jax, jax.numpy as jnp
import numpy as np

STRIDE = 4
NSAMPLE = 16


def square_distance(src, dst):
    dist = -2.0 * jnp.matmul(src, jnp.transpose(dst, (0, 2, 1)))
    dist = dist + jnp.sum(src ** 2, axis=-1)[..., None]
    dist = dist + jnp.sum(dst ** 2, axis=-1)[:, None, :]
    return dist


def index_points(points, idx):
    # points: [B, N, C], idx: [B, ...] -> [B, ..., C]
    B = points.shape[0]
    raw_shape = idx.shape
    idx2 = idx.reshape(B, -1)
    res = jnp.take_along_axis(points, idx2[:, :, None], axis=1)
    return res.reshape(*raw_shape, points.shape[-1])


def farthest_point_sample(xyz, npoint):
    # Deterministic variant: initial farthest index = 0 (torch uses randint).
    B, N, _ = xyz.shape
    batch_idx = jnp.arange(B)

    def body(i, state):
        centroids, distance, farthest = state
        centroids = centroids.at[:, i].set(farthest)
        centroid = xyz[batch_idx, farthest][:, None, :]
        dist = jnp.sum((xyz - centroid) ** 2, axis=-1)
        distance = jnp.minimum(distance, dist)
        farthest = jnp.argmax(distance, axis=-1).astype(jnp.int32)
        return (centroids, distance, farthest)

    centroids = jnp.zeros((B, npoint), dtype=jnp.int32)
    distance = jnp.full((B, N), 1e10, dtype=jnp.float32)
    farthest = jnp.zeros((B,), dtype=jnp.int32)
    centroids, _, _ = jax.lax.fori_loop(0, npoint, body, (centroids, distance, farthest))
    return centroids


def batchnorm(x, gamma, beta, eps=1e-5):
    # training-mode batch statistics over all axes except the channel (last) axis
    axes = tuple(range(x.ndim - 1))
    mean = jnp.mean(x, axis=axes, keepdims=True)
    var = jnp.var(x, axis=axes, keepdims=True)
    return gamma * (x - mean) / jnp.sqrt(var + eps) + beta


def setup_inputs(seed: int = 0) -> dict:
    key = jax.random.key(seed)
    k1, k2, k3 = jax.random.split(key, 3)
    xyz = jax.random.normal(k1, (4, 8192, 3), dtype=jnp.float32)
    features = jax.random.normal(k2, (4, 8192, 64), dtype=jnp.float32)
    # nn.Linear(in_planes + 3, out_planes, bias=False) -> store as [in+3, out]
    W = jax.random.normal(k3, (64 + 3, 128), dtype=jnp.float32) * 0.05
    gamma = jnp.ones((128,), dtype=jnp.float32)
    beta = jnp.zeros((128,), dtype=jnp.float32)
    return {"xyz": xyz, "features": features, "W": W, "gamma": gamma, "beta": beta}


def reference(xyz, features, W, gamma, beta):
    npoint = xyz.shape[1] // STRIDE
    fps_idx = farthest_point_sample(xyz, npoint)
    new_xyz = index_points(xyz, fps_idx)                  # [B, npoint, 3]
    dist = square_distance(new_xyz, xyz)                  # [B, npoint, N]
    idx = jax.lax.top_k(-dist, NSAMPLE)[1]                # smallest-k distances
    grouped_xyz = index_points(xyz, idx)                  # [B, npoint, ns, 3]
    grouped_xyz_norm = grouped_xyz - new_xyz[:, :, None, :]
    grouped_features = index_points(features, idx)        # [B, npoint, ns, C]
    g = jnp.concatenate([grouped_xyz_norm, grouped_features], axis=-1)
    g = jnp.matmul(g, W)
    g = batchnorm(g, gamma, beta)
    g = jax.nn.relu(g)
    new_features = jnp.max(g, axis=2)
    return (new_xyz, new_features)

if __name__ == "__main__":
    import jax
    _d = setup_inputs()
    print(jax.jit(kernel)(*tuple(_d.values())))

</pallas_src>

<mosaic_0001>
#map = affine_map<(d0, d1) -> (0, 0)>
#map1 = affine_map<(d0, d1) -> (0)>
module attributes {stable_mosaic.version = 14 : i64} {
  func.func @gather_k(%arg0: i32, %arg1: i32, %arg2: memref<32768x128xf32, #tpu.memory_space<hbm>>, %arg3: memref<131072xi32, #tpu.memory_space<hbm>>, %arg4: memref<131072x128xf32, #tpu.memory_space<hbm>>, %arg5: memref<128xi32, #tpu.memory_space<vmem>>, %arg6: memref<128x128xf32, #tpu.memory_space<vmem>>, %arg7: memref<!tpu.dma_semaphore, #tpu.memory_space<semaphore_mem>>) attributes {dimension_semantics = [#tpu.dimension_semantics<core_parallel>, #tpu.dimension_semantics<subcore_parallel>], iteration_bounds = array<i64: 2, 16>, scalar_prefetch = 0 : i64, scratch_operands = 3 : i64, tpu.core_type = #tpu.core_type<sc_vector_subcore>, window_params = [{transform_indices = #map}, {transform_indices = #map1}, {transform_indices = #map}]} {
    %mul3A = arith.constant 2 : i32
    %mul3A_0 = arith.muli %arg1, %mul3A : i32
    %add3A = arith.addi %mul3A_0, %arg0 : i32
    %mul3A_1 = arith.constant 4096 : i32
    %mul3A_2 = arith.muli %add3A, %mul3A_1 : i32
    %scan3A = arith.constant 0 : i32
    %scan3A_3 = arith.constant 0 : i32
    %scan3A_4 = arith.constant 32 : i32
    %scan3A_5 = arith.addi %scan3A_3, %scan3A_4 : i32
    %scan3A_6 = arith.constant 1 : i32
    scf.for %scan3A_8 = %scan3A_3 to %scan3A_5 step %scan3A_6  : i32 {
      %mul3A_9 = arith.constant 128 : i32
      %mul3A_10 = arith.muli %scan3A_8, %mul3A_9 : i32
      %add3A_11 = arith.addi %mul3A_2, %mul3A_10 : i32
      "tpu.region"() ({
        %run_scoped3A = tpu.sem_alloc : memref<!tpu.dma_semaphore, #tpu.memory_space<semaphore_mem>>
        %dma_start3A_16 = tpu.memref_slice %arg3[%add3A_11] : memref<131072xi32, #tpu.memory_space<hbm>> -> memref<128xi32, #tpu.memory_space<hbm>>
        %dma_start3A_17 = tpu.memref_slice %arg3[%add3A_11] : memref<131072xi32, #tpu.memory_space<hbm>> -> memref<128xi32, #tpu.memory_space<hbm>>
        tpu.enqueue_dma source(%dma_start3A_17 : memref<128xi32, #tpu.memory_space<hbm>>) target(%arg5 : memref<128xi32, #tpu.memory_space<vmem>>) target_semaphore(%run_scoped3A : memref<!tpu.dma_semaphore, #tpu.memory_space<semaphore_mem>>)
        %dma_wait3A_18 = tpu.memref_slice %arg3[%add3A_11] : memref<131072xi32, #tpu.memory_space<hbm>> -> memref<128xi32, #tpu.memory_space<hbm>>
        %dma_wait3A_19 = tpu.memref_slice %arg3[%add3A_11] : memref<131072xi32, #tpu.memory_space<hbm>> -> memref<128xi32, #tpu.memory_space<hbm>>
        tpu.wait_dma2 semaphore(%run_scoped3A : memref<!tpu.dma_semaphore, #tpu.memory_space<semaphore_mem>>) src(%dma_wait3A_19 : memref<128xi32, #tpu.memory_space<hbm>>) dst(%arg5 : memref<128xi32, #tpu.memory_space<vmem>>)
        tpu.yield
      }) : () -> ()
      %dma_start3A = arith.constant 0 : i32
      %dma_start3A_12 = arith.constant 0 : i32
      %dma_start3A_13 = tpu.memref_slice %arg2[%dma_start3A, %dma_start3A_12] : memref<32768x128xf32, #tpu.memory_space<hbm>> -> memref<32768x128xf32, #tpu.memory_space<hbm>>
      tpu.enqueue_indirect_dma source(%dma_start3A_13 : memref<32768x128xf32, #tpu.memory_space<hbm>>) target(%arg6 : memref<128x128xf32, #tpu.memory_space<vmem>>) offsets(%arg5 : memref<128xi32, #tpu.memory_space<vmem>>) semaphore(%arg7 : memref<!tpu.dma_semaphore, #tpu.memory_space<semaphore_mem>>)
      %dma_wait3A = arith.constant 0 : i32
      %dma_wait3A_14 = arith.constant 0 : i32
      %dma_wait3A_15 = tpu.memref_slice %arg2[%dma_wait3A, %dma_wait3A_14] : memref<32768x128xf32, #tpu.memory_space<hbm>> -> memref<32768x128xf32, #tpu.memory_space<hbm>>
      tpu.wait_indirect_dma semaphore(%arg7 : memref<!tpu.dma_semaphore, #tpu.memory_space<semaphore_mem>>) src(%dma_wait3A_15 : memref<32768x128xf32, #tpu.memory_space<hbm>>) dst(%arg6 : memref<128x128xf32, #tpu.memory_space<vmem>>)
      "tpu.region"() ({
        %run_scoped3A = tpu.sem_alloc : memref<!tpu.dma_semaphore, #tpu.memory_space<semaphore_mem>>
        %dma_start3A_16 = arith.constant 0 : i32
        %dma_start3A_17 = tpu.memref_slice %arg4[%add3A_11, %dma_start3A_16] : memref<131072x128xf32, #tpu.memory_space<hbm>> -> memref<128x128xf32, #tpu.memory_space<hbm>>
        %dma_start3A_18 = arith.constant 0 : i32
        %dma_start3A_19 = tpu.memref_slice %arg4[%add3A_11, %dma_start3A_18] : memref<131072x128xf32, #tpu.memory_space<hbm>> -> memref<128x128xf32, #tpu.memory_space<hbm>>
        tpu.enqueue_dma source(%arg6 : memref<128x128xf32, #tpu.memory_space<vmem>>) target(%dma_start3A_19 : memref<128x128xf32, #tpu.memory_space<hbm>>) target_semaphore(%run_scoped3A : memref<!tpu.dma_semaphore, #tpu.memory_space<semaphore_mem>>)
        %dma_wait3A_20 = arith.constant 0 : i32
        %dma_wait3A_21 = tpu.memref_slice %arg4[%add3A_11, %dma_wait3A_20] : memref<131072x128xf32, #tpu.memory_space<hbm>> -> memref<128x128xf32, #tpu.memory_space<hbm>>
        %dma_wait3A_22 = arith.constant 0 : i32
        %dma_wait3A_23 = tpu.memref_slice %arg4[%add3A_11, %dma_wait3A_22] : memref<131072x128xf32, #tpu.memory_space<hbm>> -> memref<128x128xf32, #tpu.memory_space<hbm>>
        tpu.wait_dma2 semaphore(%run_scoped3A : memref<!tpu.dma_semaphore, #tpu.memory_space<semaphore_mem>>) src(%arg6 : memref<128x128xf32, #tpu.memory_space<vmem>>) dst(%dma_wait3A_23 : memref<128x128xf32, #tpu.memory_space<hbm>>)
        tpu.yield
      }) : () -> ()
    }
    %scan3A_7 = arith.constant 32 : i32
    return
  }
}

module attributes {stable_mosaic.version = 14 : i64} {
  func.func @_fps_kernel(%arg0: memref<4x64x128xf32, #tpu.memory_space<vmem>>, %arg1: memref<4x64x128xf32, #tpu.memory_space<vmem>>, %arg2: memref<4x64x128xf32, #tpu.memory_space<vmem>>, %arg3: memref<4x3x16x128xf32, #tpu.memory_space<vmem>>) attributes {dimension_semantics = [], scalar_prefetch = 0 : i64, scratch_operands = 0 : i64, tpu.core_type = #tpu.core_type<tc>} {
    %get3A = arith.constant 0 : index
    %get3A_0 = arith.constant 0 : index
    %get3A_1 = arith.constant 0 : index
    %get3A_2 = vector.load %arg0[%get3A, %get3A_0, %get3A_1] : memref<4x64x128xf32, #tpu.memory_space<vmem>>, vector<4x64x128xf32>
    %get3A_3 = arith.constant 0 : index
    %get3A_4 = arith.constant 0 : index
    %get3A_5 = arith.constant 0 : index
    %get3A_6 = vector.load %arg1[%get3A_3, %get3A_4, %get3A_5] : memref<4x64x128xf32, #tpu.memory_space<vmem>>, vector<4x64x128xf32>
    %get3A_7 = arith.constant 0 : index
    %get3A_8 = arith.constant 0 : index
    %get3A_9 = arith.constant 0 : index
    %get3A_10 = vector.load %arg2[%get3A_7, %get3A_8, %get3A_9] : memref<4x64x128xf32, #tpu.memory_space<vmem>>, vector<4x64x128xf32>
    %iota3A = tpu.iota {dimensions = array<i32: 1>} : vector<4x64x128xi32>
    %mul3A = arith.constant 128 : i32
    %mul3A_11 = vector.broadcast %mul3A : i32 to vector<4x64x128xi32>
    %mul3A_12 = arith.muli %iota3A, %mul3A_11 : vector<4x64x128xi32>
    %iota3A_13 = tpu.iota {dimensions = array<i32: 2>} : vector<4x64x128xi32>
    %add3A = arith.addi %mul3A_12, %iota3A_13 : vector<4x64x128xi32>
    %iota3A_14 = tpu.iota {dimensions = array<i32: 0>} : vector<16x128xi32>
    %mul3A_15 = arith.constant 128 : i32
    %mul3A_16 = vector.broadcast %mul3A_15 : i32 to vector<16x128xi32>
    %mul3A_17 = arith.muli %iota3A_14, %mul3A_16 : vector<16x128xi32>
    %iota3A_18 = tpu.iota {dimensions = array<i32: 1>} : vector<16x128xi32>
    %add3A_19 = arith.addi %mul3A_17, %iota3A_18 : vector<16x128xi32>
    %broadcast_in_dim3A = arith.constant 1.000000e+10 : f32
    %broadcast_in_dim3A_20 = vector.broadcast %broadcast_in_dim3A : f32 to vector<4x64x128xf32>
    %broadcast_in_dim3A_21 = arith.constant 0.000000e+00 : f32
    %broadcast_in_dim3A_22 = vector.broadcast %broadcast_in_dim3A_21 : f32 to vector<4x16x128xf32>
    %broadcast_in_dim3A_23 = arith.constant 0 : i32
    %broadcast_in_dim3A_24 = vector.broadcast %broadcast_in_dim3A_23 : i32 to vector<4x1x1xi32>
    %scan3A = arith.constant 0 : i32
    %scan3A_25 = arith.constant 2048 : i32
    %scan3A_26 = arith.addi %scan3A, %scan3A_25 : i32
    %scan3A_27 = arith.constant 1 : i32
    %scan3A_28:5 = scf.for %scan3A_50 = %scan3A to %scan3A_26 step %scan3A_27 iter_args(%scan3A_51 = %broadcast_in_dim3A_20, %scan3A_52 = %broadcast_in_dim3A_24, %scan3A_53 = %broadcast_in_dim3A_22, %scan3A_54 = %broadcast_in_dim3A_22, %scan3A_55 = %broadcast_in_dim3A_22) -> (vector<4x64x128xf32>, vector<4x1x1xi32>, vector<4x16x128xf32>, vector<4x16x128xf32>, vector<4x16x128xf32>)  : i32 {
      %eq3A = vector.broadcast %scan3A_52 : vector<4x1x1xi32> to vector<4x64x128xi32>
      %eq3A_56 = arith.cmpi eq, %add3A, %eq3A : vector<4x64x128xi32>
      %jit3A = arith.constant 0.000000e+00 : f32
      %broadcast_in_dim3A_57 = vector.broadcast %jit3A : f32 to vector<4x64x128xf32>
      %select_n3A = arith.select %eq3A_56, %get3A_2, %broadcast_in_dim3A_57 : vector<4x64x128xi1>, vector<4x64x128xf32>
      %reduce_sum3A = arith.constant dense<0.000000e+00> : vector<4xf32>
      %reduce_sum3A_58 = vector.multi_reduction <add>, %select_n3A, %reduce_sum3A [1, 2] : vector<4x64x128xf32> to vector<4xf32>
      %broadcast_in_dim3A_59 = vector.shape_cast %reduce_sum3A_58 : vector<4xf32> to vector<4x1x1xf32>
      %jit3A_60 = arith.constant 0.000000e+00 : f32
      %broadcast_in_dim3A_61 = vector.broadcast %jit3A_60 : f32 to vector<4x64x128xf32>
      %select_n3A_62 = arith.select %eq3A_56, %get3A_6, %broadcast_in_dim3A_61 : vector<4x64x128xi1>, vector<4x64x128xf32>
      %reduce_sum3A_63 = arith.constant dense<0.000000e+00> : vector<4xf32>
      %reduce_sum3A_64 = vector.multi_reduction <add>, %select_n3A_62, %reduce_sum3A_63 [1, 2] : vector<4x64x128xf32> to vector<4xf32>
      %broadcast_in_dim3A_65 = vector.shape_cast %reduce_sum3A_64 : vector<4xf32> to vector<4x1x1xf32>
      %jit3A_66 = arith.constant 0.000000e+00 : f32
      %broadcast_in_dim3A_67 = vector.broadcast %jit3A_66 : f32 to vector<4x64x128xf32>
      %select_n3A_68 = arith.select %eq3A_56, %get3A_10, %broadcast_in_dim3A_67 : vector<4x64x128xi1>, vector<4x64x128xf32>
      %reduce_sum3A_69 = arith.constant dense<0.000000e+00> : vector<4xf32>
      %reduce_sum3A_70 = vector.multi_reduction <add>, %select_n3A_68, %reduce_sum3A_69 [1, 2] : vector<4x64x128xf32> to vector<4xf32>
      %broadcast_in_dim3A_71 = vector.shape_cast %reduce_sum3A_70 : vector<4xf32> to vector<4x1x1xf32>
      %eq3A_72 = vector.broadcast %scan3A_50 : i32 to vector<16x128xi32>
      %eq3A_73 = arith.cmpi eq, %add3A_19, %eq3A_72 : vector<16x128xi32>
      %broadcast_in_dim3A_74 = vector.shape_cast %eq3A_73 : vector<16x128xi1> to vector<1x16x128xi1>
      %broadcast_in_dim3A_75 = vector.shape_cast %broadcast_in_dim3A_74 : vector<1x16x128xi1> to vector<1x16x128xi1>
      %broadcast_in_dim3A_76 = vector.broadcast %broadcast_in_dim3A_75 : vector<1x16x128xi1> to vector<4x16x128xi1>
      %broadcast_in_dim3A_77 = vector.shape_cast %broadcast_in_dim3A_59 : vector<4x1x1xf32> to vector<4x1x1xf32>
      %broadcast_in_dim3A_78 = vector.broadcast %broadcast_in_dim3A_77 : vector<4x1x1xf32> to vector<4x16x128xf32>
      %select_n3A_79 = arith.select %broadcast_in_dim3A_76, %broadcast_in_dim3A_78, %scan3A_53 : vector<4x16x128xi1>, vector<4x16x128xf32>
      %broadcast_in_dim3A_80 = vector.shape_cast %broadcast_in_dim3A_74 : vector<1x16x128xi1> to vector<1x16x128xi1>
      %broadcast_in_dim3A_81 = vector.broadcast %broadcast_in_dim3A_80 : vector<1x16x128xi1> to vector<4x16x128xi1>
      %broadcast_in_dim3A_82 = vector.shape_cast %broadcast_in_dim3A_65 : vector<4x1x1xf32> to vector<4x1x1xf32>
      %broadcast_in_dim3A_83 = vector.broadcast %broadcast_in_dim3A_82 : vector<4x1x1xf32> to vector<4x16x128xf32>
      %select_n3A_84 = arith.select %broadcast_in_dim3A_81, %broadcast_in_dim3A_83, %scan3A_54 : vector<4x16x128xi1>, vector<4x16x128xf32>
      %broadcast_in_dim3A_85 = vector.shape_cast %broadcast_in_dim3A_74 : vector<1x16x128xi1> to vector<1x16x128xi1>
      %broadcast_in_dim3A_86 = vector.broadcast %broadcast_in_dim3A_85 : vector<1x16x128xi1> to vector<4x16x128xi1>
      %broadcast_in_dim3A_87 = vector.shape_cast %broadcast_in_dim3A_71 : vector<4x1x1xf32> to vector<4x1x1xf32>
      %broadcast_in_dim3A_88 = vector.broadcast %broadcast_in_dim3A_87 : vector<4x1x1xf32> to vector<4x16x128xf32>
      %select_n3A_89 = arith.select %broadcast_in_dim3A_86, %broadcast_in_dim3A_88, %scan3A_55 : vector<4x16x128xi1>, vector<4x16x128xf32>
      %sub3A = vector.broadcast %broadcast_in_dim3A_59 : vector<4x1x1xf32> to vector<4x64x128xf32>
      %sub3A_90 = arith.subf %get3A_2, %sub3A : vector<4x64x128xf32>
      %sub3A_91 = vector.broadcast %broadcast_in_dim3A_65 : vector<4x1x1xf32> to vector<4x64x128xf32>
      %sub3A_92 = arith.subf %get3A_6, %sub3A_91 : vector<4x64x128xf32>
      %sub3A_93 = vector.broadcast %broadcast_in_dim3A_71 : vector<4x1x1xf32> to vector<4x64x128xf32>
      %sub3A_94 = arith.subf %get3A_10, %sub3A_93 : vector<4x64x128xf32>
      %mul3A_95 = arith.mulf %sub3A_90, %sub3A_90 : vector<4x64x128xf32>
      %mul3A_96 = arith.mulf %sub3A_94, %sub3A_94 : vector<4x64x128xf32>
      %add3A_97 = arith.addf %mul3A_95, %mul3A_96 : vector<4x64x128xf32>
      %mul3A_98 = arith.mulf %sub3A_92, %sub3A_92 : vector<4x64x128xf32>
      %add3A_99 = arith.addf %add3A_97, %mul3A_98 : vector<4x64x128xf32>
      %min3A = arith.minimumf %scan3A_51, %add3A_99 : vector<4x64x128xf32>
      %reduce_max3A = arith.constant dense<0xFF800000> : vector<4xf32>
      %reduce_max3A_100 = vector.multi_reduction <maximumf>, %min3A, %reduce_max3A [1, 2] : vector<4x64x128xf32> to vector<4xf32>
      %broadcast_in_dim3A_101 = vector.shape_cast %reduce_max3A_100 : vector<4xf32> to vector<4x1x1xf32>
      %eq3A_102 = vector.broadcast %broadcast_in_dim3A_101 : vector<4x1x1xf32> to vector<4x64x128xf32>
      %eq3A_103 = arith.cmpf oeq, %min3A, %eq3A_102 : vector<4x64x128xf32>
      %jit3A_104 = arith.constant 2147483647 : i32
      %broadcast_in_dim3A_105 = vector.broadcast %jit3A_104 : i32 to vector<4x64x128xi32>
      %select_n3A_106 = arith.select %eq3A_103, %add3A, %broadcast_in_dim3A_105 : vector<4x64x128xi1>, vector<4x64x128xi32>
      %reduce_min3A = arith.constant dense<2147483647> : vector<4xi32>
      %reduce_min3A_107 = vector.multi_reduction <minsi>, %select_n3A_106, %reduce_min3A [1, 2] : vector<4x64x128xi32> to vector<4xi32>
      %broadcast_in_dim3A_108 = vector.shape_cast %reduce_min3A_107 : vector<4xi32> to vector<4x1x1xi32>
      scf.yield %min3A, %broadcast_in_dim3A_108, %select_n3A_79, %select_n3A_84, %select_n3A_89 : vector<4x64x128xf32>, vector<4x1x1xi32>, vector<4x16x128xf32>, vector<4x16x128xf32>, vector<4x16x128xf32>
    }
    %scan3A_29 = arith.constant 2048 : i32
    %swap3A = arith.constant 0 : index
    %swap3A_30 = arith.constant 0 : index
    %swap3A_31 = arith.constant 0 : index
    %swap3A_32 = arith.constant 0 : index
    %swap3A_33 = vector.load %arg3[%swap3A, %swap3A_30, %swap3A_31, %swap3A_32] : memref<4x3x16x128xf32, #tpu.memory_space<vmem>>, vector<4x1x16x128xf32>
    %swap3A_34 = vector.shape_cast %swap3A_33 : vector<4x1x16x128xf32> to vector<4x16x128xf32>
    %swap3A_35 = vector.shape_cast %scan3A_28#2 : vector<4x16x128xf32> to vector<4x1x16x128xf32>
    tpu.vector_store %arg3[%swap3A, %swap3A_30, %swap3A_31, %swap3A_32], %swap3A_35 {strides = array<i32>} : memref<4x3x16x128xf32, #tpu.memory_space<vmem>>, vector<4x1x16x128xf32>,
    %swap3A_36 = arith.constant 0 : index
    %swap3A_37 = arith.constant 1 : index
    %swap3A_38 = arith.constant 0 : index
    %swap3A_39 = arith.constant 0 : index
    %swap3A_40 = vector.load %arg3[%swap3A_36, %swap3A_37, %swap3A_38, %swap3A_39] : memref<4x3x16x128xf32, #tpu.memory_space<vmem>>, vector<4x1x16x128xf32>
    %swap3A_41 = vector.shape_cast %swap3A_40 : vector<4x1x16x128xf32> to vector<4x16x128xf32>
    %swap3A_42 = vector.shape_cast %scan3A_28#3 : vector<4x16x128xf32> to vector<4x1x16x128xf32>
    tpu.vector_store %arg3[%swap3A_36, %swap3A_37, %swap3A_38, %swap3A_39], %swap3A_42 {strides = array<i32>} : memref<4x3x16x128xf32, #tpu.memory_space<vmem>>, vector<4x1x16x128xf32>,
    %swap3A_43 = arith.constant 0 : index
    %swap3A_44 = arith.constant 2 : index
    %swap3A_45 = arith.constant 0 : index
    %swap3A_46 = arith.constant 0 : index
    %swap3A_47 = vector.load %arg3[%swap3A_43, %swap3A_44, %swap3A_45, %swap3A_46] : memref<4x3x16x128xf32, #tpu.memory_space<vmem>>, vector<4x1x16x128xf32>
    %swap3A_48 = vector.shape_cast %swap3A_47 : vector<4x1x16x128xf32> to vector<4x16x128xf32>
    %swap3A_49 = vector.shape_cast %scan3A_28#4 : vector<4x16x128xf32> to vector<4x1x16x128xf32>
    tpu.vector_store %arg3[%swap3A_43, %swap3A_44, %swap3A_45, %swap3A_46], %swap3A_49 {strides = array<i32>} : memref<4x3x16x128xf32, #tpu.memory_space<vmem>>, vector<4x1x16x128xf32>,
    return
  }
}

module attributes {stable_mosaic.version = 14 : i64} {
  func.func @_knn_kernel(%arg0: i32, %arg1: i32, %arg2: memref<1x256x3xf32, #tpu.memory_space<vmem>>, %arg3: memref<1x3x8192xf32, #tpu.memory_space<vmem>>, %arg4: memref<1x256x16xi32, #tpu.memory_space<vmem>>) attributes {dimension_semantics = [#tpu.dimension_semantics<arbitrary>, #tpu.dimension_semantics<arbitrary>], iteration_bounds = array<i64: 4, 8>, scalar_prefetch = 0 : i64, scratch_operands = 0 : i64, tpu.core_type = #tpu.core_type<tc>, window_params = [{transform_indices = @transform_0, window_bounds = array<i64: 1, 256, 3>}, {transform_indices = @transform_1, window_bounds = array<i64: 1, 3, 8192>}, {transform_indices = @transform_2, window_bounds = array<i64: 1, 256, 16>}]} {
    %get3A = arith.constant 0 : index
    %get3A_0 = arith.constant 0 : index
    %get3A_1 = arith.constant 0 : index
    %get3A_2 = vector.load %arg2[%get3A, %get3A_0, %get3A_1] : memref<1x256x3xf32, #tpu.memory_space<vmem>>, vector<1x256x1xf32>
    %get3A_3 = vector.shape_cast %get3A_2 : vector<1x256x1xf32> to vector<256x1xf32>
    %get3A_4 = arith.constant 0 : index
    %get3A_5 = arith.constant 0 : index
    %get3A_6 = arith.constant 1 : index
    %get3A_7 = vector.load %arg2[%get3A_4, %get3A_5, %get3A_6] : memref<1x256x3xf32, #tpu.memory_space<vmem>>, vector<1x256x1xf32>
    %get3A_8 = vector.shape_cast %get3A_7 : vector<1x256x1xf32> to vector<256x1xf32>
    %get3A_9 = arith.constant 0 : index
    %get3A_10 = arith.constant 0 : index
    %get3A_11 = arith.constant 2 : index
    %get3A_12 = vector.load %arg2[%get3A_9, %get3A_10, %get3A_11] : memref<1x256x3xf32, #tpu.memory_space<vmem>>, vector<1x256x1xf32>
    %get3A_13 = vector.shape_cast %get3A_12 : vector<1x256x1xf32> to vector<256x1xf32>
    %get3A_14 = arith.constant 0 : index
    %get3A_15 = arith.constant 0 : index
    %get3A_16 = arith.constant 0 : index
    %get3A_17 = vector.load %arg3[%get3A_14, %get3A_15, %get3A_16] : memref<1x3x8192xf32, #tpu.memory_space<vmem>>, vector<1x1x8192xf32>
    %get3A_18 = vector.shape_cast %get3A_17 : vector<1x1x8192xf32> to vector<1x8192xf32>
    %get3A_19 = arith.constant 0 : index
    %get3A_20 = arith.constant 1 : index
    %get3A_21 = arith.constant 0 : index
    %get3A_22 = vector.load %arg3[%get3A_19, %get3A_20, %get3A_21] : memref<1x3x8192xf32, #tpu.memory_space<vmem>>, vector<1x1x8192xf32>
    %get3A_23 = vector.shape_cast %get3A_22 : vector<1x1x8192xf32> to vector<1x8192xf32>
    %get3A_24 = arith.constant 0 : index
    %get3A_25 = arith.constant 2 : index
    %get3A_26 = arith.constant 0 : index
    %get3A_27 = vector.load %arg3[%get3A_24, %get3A_25, %get3A_26] : memref<1x3x8192xf32, #tpu.memory_space<vmem>>, vector<1x1x8192xf32>
    %get3A_28 = vector.shape_cast %get3A_27 : vector<1x1x8192xf32> to vector<1x8192xf32>
    %mul3A = arith.mulf %get3A_3, %get3A_3 : vector<256x1xf32>
    %mul3A_29 = arith.mulf %get3A_8, %get3A_8 : vector<256x1xf32>
    %add3A = arith.addf %mul3A, %mul3A_29 : vector<256x1xf32>
    %mul3A_30 = arith.mulf %get3A_13, %get3A_13 : vector<256x1xf32>
    %add3A_31 = arith.addf %add3A, %mul3A_30 : vector<256x1xf32>
    %mul3A_32 = arith.mulf %get3A_18, %get3A_18 : vector<1x8192xf32>
    %mul3A_33 = arith.mulf %get3A_23, %get3A_23 : vector<1x8192xf32>
    %add3A_34 = arith.addf %mul3A_32, %mul3A_33 : vector<1x8192xf32>
    %mul3A_35 = arith.mulf %get3A_28, %get3A_28 : vector<1x8192xf32>
    %add3A_36 = arith.addf %add3A_34, %mul3A_35 : vector<1x8192xf32>
    %convert_element_type3A = arith.truncf %get3A_3 : vector<256x1xf32> to vector<256x1xbf16>
    %convert_element_type3A_37 = arith.extf %convert_element_type3A : vector<256x1xbf16> to vector<256x1xf32>
    %convert_element_type3A_38 = arith.truncf %get3A_8 : vector<256x1xf32> to vector<256x1xbf16>
    %convert_element_type3A_39 = arith.extf %convert_element_type3A_38 : vector<256x1xbf16> to vector<256x1xf32>
    %convert_element_type3A_40 = arith.truncf %get3A_13 : vector<256x1xf32> to vector<256x1xbf16>
    %convert_element_type3A_41 = arith.extf %convert_element_type3A_40 : vector<256x1xbf16> to vector<256x1xf32>
    %convert_element_type3A_42 = arith.truncf %get3A_18 : vector<1x8192xf32> to vector<1x8192xbf16>
    %convert_element_type3A_43 = arith.extf %convert_element_type3A_42 : vector<1x8192xbf16> to vector<1x8192xf32>
    %convert_element_type3A_44 = arith.truncf %get3A_23 : vector<1x8192xf32> to vector<1x8192xbf16>
    %convert_element_type3A_45 = arith.extf %convert_element_type3A_44 : vector<1x8192xbf16> to vector<1x8192xf32>
    %convert_element_type3A_46 = arith.truncf %get3A_28 : vector<1x8192xf32> to vector<1x8192xbf16>
    %convert_element_type3A_47 = arith.extf %convert_element_type3A_46 : vector<1x8192xbf16> to vector<1x8192xf32>
    %mul3A_48 = vector.broadcast %convert_element_type3A_37 : vector<256x1xf32> to vector<256x8192xf32>
    %mul3A_49 = vector.broadcast %convert_element_type3A_43 : vector<1x8192xf32> to vector<256x8192xf32>
    %mul3A_50 = arith.mulf %mul3A_48, %mul3A_49 : vector<256x8192xf32>
    %mul3A_51 = vector.broadcast %convert_element_type3A_39 : vector<256x1xf32> to vector<256x8192xf32>
    %mul3A_52 = vector.broadcast %convert_element_type3A_45 : vector<1x8192xf32> to vector<256x8192xf32>
    %mul3A_53 = arith.mulf %mul3A_51, %mul3A_52 : vector<256x8192xf32>
    %add3A_54 = arith.addf %mul3A_50, %mul3A_53 : vector<256x8192xf32>
    %mul3A_55 = vector.broadcast %convert_element_type3A_41 : vector<256x1xf32> to vector<256x8192xf32>
    %mul3A_56 = vector.broadcast %convert_element_type3A_47 : vector<1x8192xf32> to vector<256x8192xf32>
    %mul3A_57 = arith.mulf %mul3A_55, %mul3A_56 : vector<256x8192xf32>
    %add3A_58 = arith.addf %add3A_54, %mul3A_57 : vector<256x8192xf32>
    %mul3A_59 = arith.constant -2.000000e+00 : f32
    %mul3A_60 = vector.broadcast %mul3A_59 : f32 to vector<256x8192xf32>
    %mul3A_61 = arith.mulf %mul3A_60, %add3A_58 : vector<256x8192xf32>
    %add3A_62 = vector.broadcast %add3A_31 : vector<256x1xf32> to vector<256x8192xf32>
    %add3A_63 = arith.addf %mul3A_61, %add3A_62 : vector<256x8192xf32>
    %add3A_64 = vector.broadcast %add3A_36 : vector<1x8192xf32> to vector<256x8192xf32>
    %add3A_65 = arith.addf %add3A_63, %add3A_64 : vector<256x8192xf32>
    %iota3A = tpu.iota {dimensions = array<i32: 1>} : vector<256x8192xi32>
    %reduce_min3A = arith.constant dense<0x7F800000> : vector<256xf32>
    %reduce_min3A_66 = vector.multi_reduction <minimumf>, %add3A_65, %reduce_min3A [1] : vector<256x8192xf32> to vector<256xf32>
    %broadcast_in_dim3A = vector.shape_cast %reduce_min3A_66 : vector<256xf32> to vector<256x1xf32>
    %eq3A = vector.broadcast %broadcast_in_dim3A : vector<256x1xf32> to vector<256x8192xf32>
    %eq3A_67 = arith.cmpf oeq, %add3A_65, %eq3A : vector<256x8192xf32>
    %jit3A = arith.constant 2147483647 : i32
    %broadcast_in_dim3A_68 = vector.broadcast %jit3A : i32 to vector<256x8192xi32>
    %select_n3A = arith.select %eq3A_67, %iota3A, %broadcast_in_dim3A_68 : vector<256x8192xi1>, vector<256x8192xi32>
    %reduce_min3A_69 = arith.constant dense<2147483647> : vector<256xi32>
    %reduce_min3A_70 = vector.multi_reduction <minsi>, %select_n3A, %reduce_min3A_69 [1] : vector<256x8192xi32> to vector<256xi32>
    %broadcast_in_dim3A_71 = vector.shape_cast %reduce_min3A_70 : vector<256xi32> to vector<256x1xi32>
    %eq3A_72 = vector.broadcast %broadcast_in_dim3A_71 : vector<256x1xi32> to vector<256x8192xi32>
    %eq3A_73 = arith.cmpi eq, %iota3A, %eq3A_72 : vector<256x8192xi32>
    %jit3A_74 = arith.constant 0x7F800000 : f32
    %broadcast_in_dim3A_75 = vector.broadcast %jit3A_74 : f32 to vector<256x8192xf32>
    %select_n3A_76 = arith.select %eq3A_73, %broadcast_in_dim3A_75, %add3A_65 : vector<256x8192xi1>, vector<256x8192xf32>
    %reduce_min3A_77 = arith.constant dense<0x7F800000> : vector<256xf32>
    %reduce_min3A_78 = vector.multi_reduction <minimumf>, %select_n3A_76, %reduce_min3A_77 [1] : vector<256x8192xf32> to vector<256xf32>
    %broadcast_in_dim3A_79 = vector.shape_cast %reduce_min3A_78 : vector<256xf32> to vector<256x1xf32>
    %eq3A_80 = vector.broadcast %broadcast_in_dim3A_79 : vector<256x1xf32> to vector<256x8192xf32>
    %eq3A_81 = arith.cmpf oeq, %select_n3A_76, %eq3A_80 : vector<256x8192xf32>
    %jit3A_82 = arith.constant 2147483647 : i32
    %broadcast_in_dim3A_83 = vector.broadcast %jit3A_82 : i32 to vector<256x8192xi32>
    %select_n3A_84 = arith.select %eq3A_81, %iota3A, %broadcast_in_dim3A_83 : vector<256x8192xi1>, vector<256x8192xi32>
    %reduce_min3A_85 = arith.constant dense<2147483647> : vector<256xi32>
    %reduce_min3A_86 = vector.multi_reduction <minsi>, %select_n3A_84, %reduce_min3A_85 [1] : vector<256x8192xi32> to vector<256xi32>
    %broadcast_in_dim3A_87 = vector.shape_cast %reduce_min3A_86 : vector<256xi32> to vector<256x1xi32>
    %eq3A_88 = vector.broadcast %broadcast_in_dim3A_87 : vector<256x1xi32> to vector<256x8192xi32>
    %eq3A_89 = arith.cmpi eq, %iota3A, %eq3A_88 : vector<256x8192xi32>
    %jit3A_90 = arith.constant 0x7F800000 : f32
    %broadcast_in_dim3A_91 = vector.broadcast %jit3A_90 : f32 to vector<256x8192xf32>
    %select_n3A_92 = arith.select %eq3A_89, %broadcast_in_dim3A_91, %select_n3A_76 : vector<256x8192xi1>, vector<256x8192xf32>
    %reduce_min3A_93 = arith.constant dense<0x7F800000> : vector<256xf32>
    %reduce_min3A_94 = vector.multi_reduction <minimumf>, %select_n3A_92, %reduce_min3A_93 [1] : vector<256x8192xf32> to vector<256xf32>
    %broadcast_in_dim3A_95 = vector.shape_cast %reduce_min3A_94 : vector<256xf32> to vector<256x1xf32>
    %eq3A_96 = vector.broadcast %broadcast_in_dim3A_95 : vector<256x1xf32> to vector<256x8192xf32>
    %eq3A_97 = arith.cmpf oeq, %select_n3A_92, %eq3A_96 : vector<256x8192xf32>
    %jit3A_98 = arith.constant 2147483647 : i32
    %broadcast_in_dim3A_99 = vector.broadcast %jit3A_98 : i32 to vector<256x8192xi32>
    %select_n3A_100 = arith.select %eq3A_97, %iota3A, %broadcast_in_dim3A_99 : vector<256x8192xi1>, vector<256x8192xi32>
    %reduce_min3A_101 = arith.constant dense<2147483647> : vector<256xi32>
    %reduce_min3A_102 = vector.multi_reduction <minsi>, %select_n3A_100, %reduce_min3A_101 [1] : vector<256x8192xi32> to vector<256xi32>
    %broadcast_in_dim3A_103 = vector.shape_cast %reduce_min3A_102 : vector<256xi32> to vector<256x1xi32>
    %eq3A_104 = vector.broadcast %broadcast_in_dim3A_103 : vector<256x1xi32> to vector<256x8192xi32>
    %eq3A_105 = arith.cmpi eq, %iota3A, %eq3A_104 : vector<256x8192xi32>
    %jit3A_106 = arith.constant 0x7F800000 : f32
    %broadcast_in_dim3A_107 = vector.broadcast %jit3A_106 : f32 to vector<256x8192xf32>
    %select_n3A_108 = arith.select %eq3A_105, %broadcast_in_dim3A_107, %select_n3A_92 : vector<256x8192xi1>, vector<256x8192xf32>
    %reduce_min3A_109 = arith.constant dense<0x7F800000> : vector<256xf32>
    %reduce_min3A_110 = vector.multi_reduction <minimumf>, %select_n3A_108, %reduce_min3A_109 [1] : vector<256x8192xf32> to vector<256xf32>
    %broadcast_in_dim3A_111 = vector.shape_cast %reduce_min3A_110 : vector<256xf32> to vector<256x1xf32>
    %eq3A_112 = vector.broadcast %broadcast_in_dim3A_111 : vector<256x1xf32> to vector<256x8192xf32>
    %eq3A_113 = arith.cmpf oeq, %select_n3A_108, %eq3A_112 : vector<256x8192xf32>
    %jit3A_114 = arith.constant 2147483647 : i32
    %broadcast_in_dim3A_115 = vector.broadcast %jit3A_114 : i32 to vector<256x8192xi32>
    %select_n3A_116 = arith.select %eq3A_113, %iota3A, %broadcast_in_dim3A_115 : vector<256x8192xi1>, vector<256x8192xi32>
    %reduce_min3A_117 = arith.constant dense<2147483647> : vector<256xi32>
    %reduce_min3A_118 = vector.multi_reduction <minsi>, %select_n3A_116, %reduce_min3A_117 [1] : vector<256x8192xi32> to vector<256xi32>
    %broadcast_in_dim3A_119 = vector.shape_cast %reduce_min3A_118 : vector<256xi32> to vector<256x1xi32>
    %eq3A_120 = vector.broadcast %broadcast_in_dim3A_119 : vector<256x1xi32> to vector<256x8192xi32>
    %eq3A_121 = arith.cmpi eq, %iota3A, %eq3A_120 : vector<256x8192xi32>
    %jit3A_122 = arith.constant 0x7F800000 : f32
    %broadcast_in_dim3A_123 = vector.broadcast %jit3A_122 : f32 to vector<256x8192xf32>
    %select_n3A_124 = arith.select %eq3A_121, %broadcast_in_dim3A_123, %select_n3A_108 : vector<256x8192xi1>, vector<256x8192xf32>
    %reduce_min3A_125 = arith.constant dense<0x7F800000> : vector<256xf32>
    %reduce_min3A_126 = vector.multi_reduction <minimumf>, %select_n3A_124, %reduce_min3A_125 [1] : vector<256x8192xf32> to vector<256xf32>
    %broadcast_in_dim3A_127 = vector.shape_cast %reduce_min3A_126 : vector<256xf32> to vector<256x1xf32>
    %eq3A_128 = vector.broadcast %broadcast_in_dim3A_127 : vector<256x1xf32> to vector<256x8192xf32>
    %eq3A_129 = arith.cmpf oeq, %select_n3A_124, %eq3A_128 : vector<256x8192xf32>
    %jit3A_130 = arith.constant 2147483647 : i32
    %broadcast_in_dim3A_131 = vector.broadcast %jit3A_130 : i32 to vector<256x8192xi32>
    %select_n3A_132 = arith.select %eq3A_129, %iota3A, %broadcast_in_dim3A_131 : vector<256x8192xi1>, vector<256x8192xi32>
    %reduce_min3A_133 = arith.constant dense<2147483647> : vector<256xi32>
    %reduce_min3A_134 = vector.multi_reduction <minsi>, %select_n3A_132, %reduce_min3A_133 [1] : vector<256x8192xi32> to vector<256xi32>
    %broadcast_in_dim3A_135 = vector.shape_cast %reduce_min3A_134 : vector<256xi32> to vector<256x1xi32>
    %eq3A_136 = vector.broadcast %broadcast_in_dim3A_135 : vector<256x1xi32> to vector<256x8192xi32>
    %eq3A_137 = arith.cmpi eq, %iota3A, %eq3A_136 : vector<256x8192xi32>
    %jit3A_138 = arith.constant 0x7F800000 : f32
    %broadcast_in_dim3A_139 = vector.broadcast %jit3A_138 : f32 to vector<256x8192xf32>
    %select_n3A_140 = arith.select %eq3A_137, %broadcast_in_dim3A_139, %select_n3A_124 : vector<256x8192xi1>, vector<256x8192xf32>
    %reduce_min3A_141 = arith.constant dense<0x7F800000> : vector<256xf32>
    %reduce_min3A_142 = vector.multi_reduction <minimumf>, %select_n3A_140, %reduce_min3A_141 [1] : vector<256x8192xf32> to vector<256xf32>
    %broadcast_in_dim3A_143 = vector.shape_cast %reduce_min3A_142 : vector<256xf32> to vector<256x1xf32>
    %eq3A_144 = vector.broadcast %broadcast_in_dim3A_143 : vector<256x1xf32> to vector<256x8192xf32>
    %eq3A_145 = arith.cmpf oeq, %select_n3A_140, %eq3A_144 : vector<256x8192xf32>
    %jit3A_146 = arith.constant 2147483647 : i32
    %broadcast_in_dim3A_147 = vector.broadcast %jit3A_146 : i32 to vector<256x8192xi32>
    %select_n3A_148 = arith.select %eq3A_145, %iota3A, %broadcast_in_dim3A_147 : vector<256x8192xi1>, vector<256x8192xi32>
    %reduce_min3A_149 = arith.constant dense<2147483647> : vector<256xi32>
    %reduce_min3A_150 = vector.multi_reduction <minsi>, %select_n3A_148, %reduce_min3A_149 [1] : vector<256x8192xi32> to vector<256xi32>
    %broadcast_in_dim3A_151 = vector.shape_cast %reduce_min3A_150 : vector<256xi32> to vector<256x1xi32>
    %eq3A_152 = vector.broadcast %broadcast_in_dim3A_151 : vector<256x1xi32> to vector<256x8192xi32>
    %eq3A_153 = arith.cmpi eq, %iota3A, %eq3A_152 : vector<256x8192xi32>
    %jit3A_154 = arith.constant 0x7F800000 : f32
    %broadcast_in_dim3A_155 = vector.broadcast %jit3A_154 : f32 to vector<256x8192xf32>
    %select_n3A_156 = arith.select %eq3A_153, %broadcast_in_dim3A_155, %select_n3A_140 : vector<256x8192xi1>, vector<256x8192xf32>
    %reduce_min3A_157 = arith.constant dense<0x7F800000> : vector<256xf32>
    %reduce_min3A_158 = vector.multi_reduction <minimumf>, %select_n3A_156, %reduce_min3A_157 [1] : vector<256x8192xf32> to vector<256xf32>
    %broadcast_in_dim3A_159 = vector.shape_cast %reduce_min3A_158 : vector<256xf32> to vector<256x1xf32>
    %eq3A_160 = vector.broadcast %broadcast_in_dim3A_159 : vector<256x1xf32> to vector<256x8192xf32>
    %eq3A_161 = arith.cmpf oeq, %select_n3A_156, %eq3A_160 : vector<256x8192xf32>
    %jit3A_162 = arith.constant 2147483647 : i32
    %broadcast_in_dim3A_163 = vector.broadcast %jit3A_162 : i32 to vector<256x8192xi32>
    %select_n3A_164 = arith.select %eq3A_161, %iota3A, %broadcast_in_dim3A_163 : vector<256x8192xi1>, vector<256x8192xi32>
    %reduce_min3A_165 = arith.constant dense<2147483647> : vector<256xi32>
    %reduce_min3A_166 = vector.multi_reduction <minsi>, %select_n3A_164, %reduce_min3A_165 [1] : vector<256x8192xi32> to vector<256xi32>
    %broadcast_in_dim3A_167 = vector.shape_cast %reduce_min3A_166 : vector<256xi32> to vector<256x1xi32>
    %eq3A_168 = vector.broadcast %broadcast_in_dim3A_167 : vector<256x1xi32> to vector<256x8192xi32>
    %eq3A_169 = arith.cmpi eq, %iota3A, %eq3A_168 : vector<256x8192xi32>
    %jit3A_170 = arith.constant 0x7F800000 : f32
    %broadcast_in_dim3A_171 = vector.broadcast %jit3A_170 : f32 to vector<256x8192xf32>
    %select_n3A_172 = arith.select %eq3A_169, %broadcast_in_dim3A_171, %select_n3A_156 : vector<256x8192xi1>, vector<256x8192xf32>
    %reduce_min3A_173 = arith.constant dense<0x7F800000> : vector<256xf32>
    %reduce_min3A_174 = vector.multi_reduction <minimumf>, %select_n3A_172, %reduce_min3A_173 [1] : vector<256x8192xf32> to vector<256xf32>
    %broadcast_in_dim3A_175 = vector.shape_cast %reduce_min3A_174 : vector<256xf32> to vector<256x1xf32>
    %eq3A_176 = vector.broadcast %broadcast_in_dim3A_175 : vector<256x1xf32> to vector<256x8192xf32>
    %eq3A_177 = arith.cmpf oeq, %select_n3A_172, %eq3A_176 : vector<256x8192xf32>
    %jit3A_178 = arith.constant 2147483647 : i32
    %broadcast_in_dim3A_179 = vector.broadcast %jit3A_178 : i32 to vector<256x8192xi32>
    %select_n3A_180 = arith.select %eq3A_177, %iota3A, %broadcast_in_dim3A_179 : vector<256x8192xi1>, vector<256x8192xi32>
    %reduce_min3A_181 = arith.constant dense<2147483647> : vector<256xi32>
    %reduce_min3A_182 = vector.multi_reduction <minsi>, %select_n3A_180, %reduce_min3A_181 [1] : vector<256x8192xi32> to vector<256xi32>
    %broadcast_in_dim3A_183 = vector.shape_cast %reduce_min3A_182 : vector<256xi32> to vector<256x1xi32>
    %eq3A_184 = vector.broadcast %broadcast_in_dim3A_183 : vector<256x1xi32> to vector<256x8192xi32>
    %eq3A_185 = arith.cmpi eq, %iota3A, %eq3A_184 : vector<256x8192xi32>
    %jit3A_186 = arith.constant 0x7F800000 : f32
    %broadcast_in_dim3A_187 = vector.broadcast %jit3A_186 : f32 to vector<256x8192xf32>
    %select_n3A_188 = arith.select %eq3A_185, %broadcast_in_dim3A_187, %select_n3A_172 : vector<256x8192xi1>, vector<256x8192xf32>
    %reduce_min3A_189 = arith.constant dense<0x7F800000> : vector<256xf32>
    %reduce_min3A_190 = vector.multi_reduction <minimumf>, %select_n3A_188, %reduce_min3A_189 [1] : vector<256x8192xf32> to vector<256xf32>
    %broadcast_in_dim3A_191 = vector.shape_cast %reduce_min3A_190 : vector<256xf32> to vector<256x1xf32>
    %eq3A_192 = vector.broadcast %broadcast_in_dim3A_191 : vector<256x1xf32> to vector<256x8192xf32>
    %eq3A_193 = arith.cmpf oeq, %select_n3A_188, %eq3A_192 : vector<256x8192xf32>
    %jit3A_194 = arith.constant 2147483647 : i32
    %broadcast_in_dim3A_195 = vector.broadcast %jit3A_194 : i32 to vector<256x8192xi32>
    %select_n3A_196 = arith.select %eq3A_193, %iota3A, %broadcast_in_dim3A_195 : vector<256x8192xi1>, vector<256x8192xi32>
    %reduce_min3A_197 = arith.constant dense<2147483647> : vector<256xi32>
    %reduce_min3A_198 = vector.multi_reduction <minsi>, %select_n3A_196, %reduce_min3A_197 [1] : vector<256x8192xi32> to vector<256xi32>
    %broadcast_in_dim3A_199 = vector.shape_cast %reduce_min3A_198 : vector<256xi32> to vector<256x1xi32>
    %eq3A_200 = vector.broadcast %broadcast_in_dim3A_199 : vector<256x1xi32> to vector<256x8192xi32>
    %eq3A_201 = arith.cmpi eq, %iota3A, %eq3A_200 : vector<256x8192xi32>
    %jit3A_202 = arith.constant 0x7F800000 : f32
    %broadcast_in_dim3A_203 = vector.broadcast %jit3A_202 : f32 to vector<256x8192xf32>
    %select_n3A_204 = arith.select %eq3A_201, %broadcast_in_dim3A_203, %select_n3A_188 : vector<256x8192xi1>, vector<256x8192xf32>
    %reduce_min3A_205 = arith.constant dense<0x7F800000> : vector<256xf32>
    %reduce_min3A_206 = vector.multi_reduction <minimumf>, %select_n3A_204, %reduce_min3A_205 [1] : vector<256x8192xf32> to vector<256xf32>
    %broadcast_in_dim3A_207 = vector.shape_cast %reduce_min3A_206 : vector<256xf32> to vector<256x1xf32>
    %eq3A_208 = vector.broadcast %broadcast_in_dim3A_207 : vector<256x1xf32> to vector<256x8192xf32>
    %eq3A_209 = arith.cmpf oeq, %select_n3A_204, %eq3A_208 : vector<256x8192xf32>
    %jit3A_210 = arith.constant 2147483647 : i32
    %broadcast_in_dim3A_211 = vector.broadcast %jit3A_210 : i32 to vector<256x8192xi32>
    %select_n3A_212 = arith.select %eq3A_209, %iota3A, %broadcast_in_dim3A_211 : vector<256x8192xi1>, vector<256x8192xi32>
    %reduce_min3A_213 = arith.constant dense<2147483647> : vector<256xi32>
    %reduce_min3A_214 = vector.multi_reduction <minsi>, %select_n3A_212, %reduce_min3A_213 [1] : vector<256x8192xi32> to vector<256xi32>
    %broadcast_in_dim3A_215 = vector.shape_cast %reduce_min3A_214 : vector<256xi32> to vector<256x1xi32>
    %eq3A_216 = vector.broadcast %broadcast_in_dim3A_215 : vector<256x1xi32> to vector<256x8192xi32>
    %eq3A_217 = arith.cmpi eq, %iota3A, %eq3A_216 : vector<256x8192xi32>
    %jit3A_218 = arith.constant 0x7F800000 : f32
    %broadcast_in_dim3A_219 = vector.broadcast %jit3A_218 : f32 to vector<256x8192xf32>
    %select_n3A_220 = arith.select %eq3A_217, %broadcast_in_dim3A_219, %select_n3A_204 : vector<256x8192xi1>, vector<256x8192xf32>
    %reduce_min3A_221 = arith.constant dense<0x7F800000> : vector<256xf32>
    %reduce_min3A_222 = vector.multi_reduction <minimumf>, %select_n3A_220, %reduce_min3A_221 [1] : vector<256x8192xf32> to vector<256xf32>
    %broadcast_in_dim3A_223 = vector.shape_cast %reduce_min3A_222 : vector<256xf32> to vector<256x1xf32>
    %eq3A_224 = vector.broadcast %broadcast_in_dim3A_223 : vector<256x1xf32> to vector<256x8192xf32>
    %eq3A_225 = arith.cmpf oeq, %select_n3A_220, %eq3A_224 : vector<256x8192xf32>
    %jit3A_226 = arith.constant 2147483647 : i32
    %broadcast_in_dim3A_227 = vector.broadcast %jit3A_226 : i32 to vector<256x8192xi32>
    %select_n3A_228 = arith.select %eq3A_225, %iota3A, %broadcast_in_dim3A_227 : vector<256x8192xi1>, vector<256x8192xi32>
    %reduce_min3A_229 = arith.constant dense<2147483647> : vector<256xi32>
    %reduce_min3A_230 = vector.multi_reduction <minsi>, %select_n3A_228, %reduce_min3A_229 [1] : vector<256x8192xi32> to vector<256xi32>
    %broadcast_in_dim3A_231 = vector.shape_cast %reduce_min3A_230 : vector<256xi32> to vector<256x1xi32>
    %eq3A_232 = vector.broadcast %broadcast_in_dim3A_231 : vector<256x1xi32> to vector<256x8192xi32>
    %eq3A_233 = arith.cmpi eq, %iota3A, %eq3A_232 : vector<256x8192xi32>
    %jit3A_234 = arith.constant 0x7F800000 : f32
    %broadcast_in_dim3A_235 = vector.broadcast %jit3A_234 : f32 to vector<256x8192xf32>
    %select_n3A_236 = arith.select %eq3A_233, %broadcast_in_dim3A_235, %select_n3A_220 : vector<256x8192xi1>, vector<256x8192xf32>
    %reduce_min3A_237 = arith.constant dense<0x7F800000> : vector<256xf32>
    %reduce_min3A_238 = vector.multi_reduction <minimumf>, %select_n3A_236, %reduce_min3A_237 [1] : vector<256x8192xf32> to vector<256xf32>
    %broadcast_in_dim3A_239 = vector.shape_cast %reduce_min3A_238 : vector<256xf32> to vector<256x1xf32>
    %eq3A_240 = vector.broadcast %broadcast_in_dim3A_239 : vector<256x1xf32> to vector<256x8192xf32>
    %eq3A_241 = arith.cmpf oeq, %select_n3A_236, %eq3A_240 : vector<256x8192xf32>
    %jit3A_242 = arith.constant 2147483647 : i32
    %broadcast_in_dim3A_243 = vector.broadcast %jit3A_242 : i32 to vector<256x8192xi32>
    %select_n3A_244 = arith.select %eq3A_241, %iota3A, %broadcast_in_dim3A_243 : vector<256x8192xi1>, vector<256x8192xi32>
    %reduce_min3A_245 = arith.constant dense<2147483647> : vector<256xi32>
    %reduce_min3A_246 = vector.multi_reduction <minsi>, %select_n3A_244, %reduce_min3A_245 [1] : vector<256x8192xi32> to vector<256xi32>
    %broadcast_in_dim3A_247 = vector.shape_cast %reduce_min3A_246 : vector<256xi32> to vector<256x1xi32>
    %eq3A_248 = vector.broadcast %broadcast_in_dim3A_247 : vector<256x1xi32> to vector<256x8192xi32>
    %eq3A_249 = arith.cmpi eq, %iota3A, %eq3A_248 : vector<256x8192xi32>
    %jit3A_250 = arith.constant 0x7F800000 : f32
    %broadcast_in_dim3A_251 = vector.broadcast %jit3A_250 : f32 to vector<256x8192xf32>
    %select_n3A_252 = arith.select %eq3A_249, %broadcast_in_dim3A_251, %select_n3A_236 : vector<256x8192xi1>, vector<256x8192xf32>
    %reduce_min3A_253 = arith.constant dense<0x7F800000> : vector<256xf32>
    %reduce_min3A_254 = vector.multi_reduction <minimumf>, %select_n3A_252, %reduce_min3A_253 [1] : vector<256x8192xf32> to vector<256xf32>
    %broadcast_in_dim3A_255 = vector.shape_cast %reduce_min3A_254 : vector<256xf32> to vector<256x1xf32>
    %eq3A_256 = vector.broadcast %broadcast_in_dim3A_255 : vector<256x1xf32> to vector<256x8192xf32>
    %eq3A_257 = arith.cmpf oeq, %select_n3A_252, %eq3A_256 : vector<256x8192xf32>
    %jit3A_258 = arith.constant 2147483647 : i32
    %broadcast_in_dim3A_259 = vector.broadcast %jit3A_258 : i32 to vector<256x8192xi32>
    %select_n3A_260 = arith.select %eq3A_257, %iota3A, %broadcast_in_dim3A_259 : vector<256x8192xi1>, vector<256x8192xi32>
    %reduce_min3A_261 = arith.constant dense<2147483647> : vector<256xi32>
    %reduce_min3A_262 = vector.multi_reduction <minsi>, %select_n3A_260, %reduce_min3A_261 [1] : vector<256x8192xi32> to vector<256xi32>
    %broadcast_in_dim3A_263 = vector.shape_cast %reduce_min3A_262 : vector<256xi32> to vector<256x1xi32>
    %eq3A_264 = vector.broadcast %broadcast_in_dim3A_263 : vector<256x1xi32> to vector<256x8192xi32>
    %eq3A_265 = arith.cmpi eq, %iota3A, %eq3A_264 : vector<256x8192xi32>
    %jit3A_266 = arith.constant 0x7F800000 : f32
    %broadcast_in_dim3A_267 = vector.broadcast %jit3A_266 : f32 to vector<256x8192xf32>
    %select_n3A_268 = arith.select %eq3A_265, %broadcast_in_dim3A_267, %select_n3A_252 : vector<256x8192xi1>, vector<256x8192xf32>
    %reduce_min3A_269 = arith.constant dense<0x7F800000> : vector<256xf32>
    %reduce_min3A_270 = vector.multi_reduction <minimumf>, %select_n3A_268, %reduce_min3A_269 [1] : vector<256x8192xf32> to vector<256xf32>
    %broadcast_in_dim3A_271 = vector.shape_cast %reduce_min3A_270 : vector<256xf32> to vector<256x1xf32>
    %eq3A_272 = vector.broadcast %broadcast_in_dim3A_271 : vector<256x1xf32> to vector<256x8192xf32>
    %eq3A_273 = arith.cmpf oeq, %select_n3A_268, %eq3A_272 : vector<256x8192xf32>
    %jit3A_274 = arith.constant 2147483647 : i32
    %broadcast_in_dim3A_275 = vector.broadcast %jit3A_274 : i32 to vector<256x8192xi32>
    %select_n3A_276 = arith.select %eq3A_273, %iota3A, %broadcast_in_dim3A_275 : vector<256x8192xi1>, vector<256x8192xi32>
    %reduce_min3A_277 = arith.constant dense<2147483647> : vector<256xi32>
    %reduce_min3A_278 = vector.multi_reduction <minsi>, %select_n3A_276, %reduce_min3A_277 [1] : vector<256x8192xi32> to vector<256xi32>
    %broadcast_in_dim3A_279 = vector.shape_cast %reduce_min3A_278 : vector<256xi32> to vector<256x1xi32>
    %eq3A_280 = vector.broadcast %broadcast_in_dim3A_279 : vector<256x1xi32> to vector<256x8192xi32>
    %eq3A_281 = arith.cmpi eq, %iota3A, %eq3A_280 : vector<256x8192xi32>
    %jit3A_282 = arith.constant 0x7F800000 : f32
    %broadcast_in_dim3A_283 = vector.broadcast %jit3A_282 : f32 to vector<256x8192xf32>
    %select_n3A_284 = arith.select %eq3A_281, %broadcast_in_dim3A_283, %select_n3A_268 : vector<256x8192xi1>, vector<256x8192xf32>
    %reduce_min3A_285 = arith.constant dense<0x7F800000> : vector<256xf32>
    %reduce_min3A_286 = vector.multi_reduction <minimumf>, %select_n3A_284, %reduce_min3A_285 [1] : vector<256x8192xf32> to vector<256xf32>
    %broadcast_in_dim3A_287 = vector.shape_cast %reduce_min3A_286 : vector<256xf32> to vector<256x1xf32>
    %eq3A_288 = vector.broadcast %broadcast_in_dim3A_287 : vector<256x1xf32> to vector<256x8192xf32>
    %eq3A_289 = arith.cmpf oeq, %select_n3A_284, %eq3A_288 : vector<256x8192xf32>
    %jit3A_290 = arith.constant 2147483647 : i32
    %broadcast_in_dim3A_291 = vector.broadcast %jit3A_290 : i32 to vector<256x8192xi32>
    %select_n3A_292 = arith.select %eq3A_289, %iota3A, %broadcast_in_dim3A_291 : vector<256x8192xi1>, vector<256x8192xi32>
    %reduce_min3A_293 = arith.constant dense<2147483647> : vector<256xi32>
    %reduce_min3A_294 = vector.multi_reduction <minsi>, %select_n3A_292, %reduce_min3A_293 [1] : vector<256x8192xi32> to vector<256xi32>
    %broadcast_in_dim3A_295 = vector.shape_cast %reduce_min3A_294 : vector<256xi32> to vector<256x1xi32>
    %eq3A_296 = vector.broadcast %broadcast_in_dim3A_295 : vector<256x1xi32> to vector<256x8192xi32>
    %eq3A_297 = arith.cmpi eq, %iota3A, %eq3A_296 : vector<256x8192xi32>
    %jit3A_298 = arith.constant 0x7F800000 : f32
    %broadcast_in_dim3A_299 = vector.broadcast %jit3A_298 : f32 to vector<256x8192xf32>
    %select_n3A_300 = arith.select %eq3A_297, %broadcast_in_dim3A_299, %select_n3A_284 : vector<256x8192xi1>, vector<256x8192xf32>
    %reduce_min3A_301 = arith.constant dense<0x7F800000> : vector<256xf32>
    %reduce_min3A_302 = vector.multi_reduction <minimumf>, %select_n3A_300, %reduce_min3A_301 [1] : vector<256x8192xf32> to vector<256xf32>
    %broadcast_in_dim3A_303 = vector.shape_cast %reduce_min3A_302 : vector<256xf32> to vector<256x1xf32>
    %eq3A_304 = vector.broadcast %broadcast_in_dim3A_303 : vector<256x1xf32> to vector<256x8192xf32>
    %eq3A_305 = arith.cmpf oeq, %select_n3A_300, %eq3A_304 : vector<256x8192xf32>
    %jit3A_306 = arith.constant 2147483647 : i32
    %broadcast_in_dim3A_307 = vector.broadcast %jit3A_306 : i32 to vector<256x8192xi32>
    %select_n3A_308 = arith.select %eq3A_305, %iota3A, %broadcast_in_dim3A_307 : vector<256x8192xi1>, vector<256x8192xi32>
    %reduce_min3A_309 = arith.constant dense<2147483647> : vector<256xi32>
    %reduce_min3A_310 = vector.multi_reduction <minsi>, %select_n3A_308, %reduce_min3A_309 [1] : vector<256x8192xi32> to vector<256xi32>
    %broadcast_in_dim3A_311 = vector.shape_cast %reduce_min3A_310 : vector<256xi32> to vector<256x1xi32>
    %concatenate3A = tpu.concatenate %broadcast_in_dim3A_71, %broadcast_in_dim3A_87, %broadcast_in_dim3A_103, %broadcast_in_dim3A_119, %broadcast_in_dim3A_135, %broadcast_in_dim3A_151, %broadcast_in_dim3A_167, %broadcast_in_dim3A_183, %broadcast_in_dim3A_199, %broadcast_in_dim3A_215, %broadcast_in_dim3A_231, %broadcast_in_dim3A_247, %broadcast_in_dim3A_263, %broadcast_in_dim3A_279, %broadcast_in_dim3A_295, %broadcast_in_dim3A_311 in 1 : vector<256x1xi32>, vector<256x1xi32>, vector<256x1xi32>, vector<256x1xi32>, vector<256x1xi32>, vector<256x1xi32>, vector<256x1xi32>, vector<256x1xi32>, vector<256x1xi32>, vector<256x1xi32>, vector<256x1xi32>, vector<256x1xi32>, vector<256x1xi32>, vector<256x1xi32>, vector<256x1xi32>, vector<256x1xi32> -> vector<256x16xi32>
    %mul3A_312 = arith.constant 8192 : i32
    %mul3A_313 = arith.muli %arg0, %mul3A_312 : i32
    %add3A_314 = vector.broadcast %mul3A_313 : i32 to vector<256x16xi32>
    %add3A_315 = arith.addi %concatenate3A, %add3A_314 : vector<256x16xi32>
    %swap3A = arith.constant 0 : index
    %swap3A_316 = arith.constant 0 : index
    %swap3A_317 = arith.constant 0 : index
    %swap3A_318 = vector.load %arg4[%swap3A, %swap3A_316, %swap3A_317] : memref<1x256x16xi32, #tpu.memory_space<vmem>>, vector<1x256x16xi32>
    %swap3A_319 = vector.shape_cast %swap3A_318 : vector<1x256x16xi32> to vector<256x16xi32>
    %swap3A_320 = vector.shape_cast %add3A_315 : vector<256x16xi32> to vector<1x256x16xi32>
    tpu.vector_store %arg4[%swap3A, %swap3A_316, %swap3A_317], %swap3A_320 {strides = array<i32>} : memref<1x256x16xi32, #tpu.memory_space<vmem>>, vector<1x256x16xi32>,
    return
  }
  func.func @transform_0(%arg0: i32, %arg1: i32) -> (i32, i32, i32) {
    %c0_i32 = arith.constant 0 : i32
    %c0_i32_0 = arith.constant 0 : i32
    return %arg0, %arg1, %c0_i32 : i32, i32, i32
  }
  func.func @transform_1(%arg0: i32, %arg1: i32) -> (i32, i32, i32) {
    %c0_i32 = arith.constant 0 : i32
    %c0_i32_0 = arith.constant 0 : i32
    %c0_i32_1 = arith.constant 0 : i32
    return %arg0, %c0_i32, %c0_i32_0 : i32, i32, i32
  }
  func.func @transform_2(%arg0: i32, %arg1: i32) -> (i32, i32, i32) {
    %c0_i32 = arith.constant 0 : i32
    %c0_i32_0 = arith.constant 0 : i32
    return %arg0, %arg1, %c0_i32 : i32, i32, i32
  }
}

module attributes {stable_mosaic.version = 14 : i64} {
  func.func @_bn_stats_kernel(%arg0: i32, %arg1: memref<2048x128xf32, #tpu.memory_space<vmem>>, %arg2: memref<128x3xf32, #tpu.memory_space<vmem>>, %arg3: memref<128x128xf32, #tpu.memory_space<vmem>>, %arg4: memref<8x128xf32, #tpu.memory_space<vmem>>) attributes {dimension_semantics = [#tpu.dimension_semantics<arbitrary>], iteration_bounds = array<i64: 64>, scalar_prefetch = 0 : i64, scratch_operands = 0 : i64, tpu.core_type = #tpu.core_type<tc>, window_params = [{transform_indices = @transform_0, window_bounds = array<i64: 2048, 128>}, {transform_indices = @transform_1, window_bounds = array<i64: 128, 3>}, {pipeline_mode = #tpu.pipeline_mode<synchronous>, transform_indices = @transform_2, window_bounds = array<i64: 128, 128>}, {pipeline_mode = #tpu.pipeline_mode<synchronous>, transform_indices = @transform_3, window_bounds = array<i64: 8, 128>}]} {
    %eq3A = arith.constant 0 : i32
    %eq3A_0 = arith.cmpi eq, %arg0, %eq3A : i32
    %convert_element_type3A = arith.extui %eq3A_0 : i1 to i32
    %cond3A = arith.constant 0 : i32
    %cond3A_1 = arith.cmpi ne, %convert_element_type3A, %cond3A : i32
    scf.if %cond3A_1 {
      %broadcast_in_dim3A_27 = arith.constant 0.000000e+00 : f32
      %broadcast_in_dim3A_28 = vector.broadcast %broadcast_in_dim3A_27 : f32 to vector<8x128xf32>
      %swap3A_29 = arith.constant 0 : index
      %swap3A_30 = arith.constant 0 : index
      %swap3A_31 = vector.load %arg4[%swap3A_29, %swap3A_30] : memref<8x128xf32, #tpu.memory_space<vmem>>, vector<8x128xf32>
      tpu.vector_store %arg4[%swap3A_29, %swap3A_30], %broadcast_in_dim3A_28 {strides = array<i32>} : memref<8x128xf32, #tpu.memory_space<vmem>>, vector<8x128xf32>,
    } else {
    }
    %get3A = arith.constant 0 : index
    %get3A_2 = arith.constant 0 : index
    %get3A_3 = vector.load %arg3[%get3A, %get3A_2] : memref<128x128xf32, #tpu.memory_space<vmem>>, vector<128x128xf32>
    %get3A_4 = arith.constant 0 : index
    %get3A_5 = arith.constant 0 : index
    %get3A_6 = vector.load %arg1[%get3A_4, %get3A_5] : memref<2048x128xf32, #tpu.memory_space<vmem>>, vector<2048x128xf32>
    %get3A_7 = arith.constant 0 : index
    %get3A_8 = arith.constant 0 : index
    %get3A_9 = vector.load %arg2[%get3A_7, %get3A_8] : memref<128x3xf32, #tpu.memory_space<vmem>>, vector<128x3xf32>
    %dot_general3A = arith.constant dense<0.000000e+00> : vector<2048x128xf32>
    %dot_general3A_10 = tpu.matmul %get3A_6, %get3A_3, %dot_general3A {dimension_numbers = #tpu.dot_dimension_numbers<[1], [0], [0], [1], [0, 0, 1, 1], [], []>, transpose_lhs_hint = false} : vector<2048x128xf32>, vector<128x128xf32>, vector<2048x128xf32> -> vector<2048x128xf32>
    %slice3A = vector.extract_strided_slice %get3A_3 {offsets = [0, 0], sizes = [3, 128], strides = [1, 1]} : vector<128x128xf32> to vector<3x128xf32>
    %dot_general3A_11 = arith.constant dense<0.000000e+00> : vector<128x128xf32>
    %dot_general3A_12 = tpu.matmul %get3A_9, %slice3A, %dot_general3A_11 {dimension_numbers = #tpu.dot_dimension_numbers<[1], [0], [0], [1], [0, 0, 1, 1], [], []>, transpose_lhs_hint = false} : vector<128x3xf32>, vector<3x128xf32>, vector<128x128xf32> -> vector<128x128xf32>
    %broadcast_in_dim3A = vector.shape_cast %dot_general3A_12 : vector<128x128xf32> to vector<128x1x128xf32>
    %broadcast_in_dim3A_13 = vector.shape_cast %broadcast_in_dim3A : vector<128x1x128xf32> to vector<128x1x128xf32>
    %broadcast_in_dim3A_14 = vector.broadcast %broadcast_in_dim3A_13 : vector<128x1x128xf32> to vector<128x16x128xf32>
    %reshape3A = vector.shape_cast %broadcast_in_dim3A_14 : vector<128x16x128xf32> to vector<2048x128xf32>
    %sub3A = arith.subf %dot_general3A_10, %reshape3A : vector<2048x128xf32>
    %reduce_sum3A = arith.constant dense<0.000000e+00> : vector<128xf32>
    %reduce_sum3A_15 = vector.multi_reduction <add>, %sub3A, %reduce_sum3A [0] : vector<2048x128xf32> to vector<128xf32>
    %broadcast_in_dim3A_16 = vector.shape_cast %reduce_sum3A_15 : vector<128xf32> to vector<1x128xf32>
    %mul3A = arith.mulf %sub3A, %sub3A : vector<2048x128xf32>
    %reduce_sum3A_17 = arith.constant dense<0.000000e+00> : vector<128xf32>
    %reduce_sum3A_18 = vector.multi_reduction <add>, %mul3A, %reduce_sum3A_17 [0] : vector<2048x128xf32> to vector<128xf32>
    %broadcast_in_dim3A_19 = vector.shape_cast %reduce_sum3A_18 : vector<128xf32> to vector<1x128xf32>
    %broadcast_in_dim3A_20 = arith.constant 0.000000e+00 : f32
    %broadcast_in_dim3A_21 = vector.broadcast %broadcast_in_dim3A_20 : f32 to vector<6x128xf32>
    %get3A_22 = arith.constant 0 : index
    %get3A_23 = arith.constant 0 : index
    %get3A_24 = vector.load %arg4[%get3A_22, %get3A_23] : memref<8x128xf32, #tpu.memory_space<vmem>>, vector<8x128xf32>
    %concatenate3A = tpu.concatenate %broadcast_in_dim3A_16, %broadcast_in_dim3A_19, %broadcast_in_dim3A_21 in 0 : vector<1x128xf32>, vector<1x128xf32>, vector<6x128xf32> -> vector<8x128xf32>
    %add3A = arith.addf %get3A_24, %concatenate3A : vector<8x128xf32>
    %swap3A = arith.constant 0 : index
    %swap3A_25 = arith.constant 0 : index
    %swap3A_26 = vector.load %arg4[%swap3A, %swap3A_25] : memref<8x128xf32, #tpu.memory_space<vmem>>, vector<8x128xf32>
    tpu.vector_store %arg4[%swap3A, %swap3A_25], %add3A {strides = array<i32>} : memref<8x128xf32, #tpu.memory_space<vmem>>, vector<8x128xf32>,
    return
  }
  func.func @transform_0(%arg0: i32) -> (i32, i32) {
    %c0_i32 = arith.constant 0 : i32
    %c0_i32_0 = arith.constant 0 : i32
    return %arg0, %c0_i32 : i32, i32
  }
  func.func @transform_1(%arg0: i32) -> (i32, i32) {
    %c0_i32 = arith.constant 0 : i32
    %c0_i32_0 = arith.constant 0 : i32
    return %arg0, %c0_i32 : i32, i32
  }
  func.func @transform_2(%arg0: i32) -> (i32, i32) {
    %c0_i32 = arith.constant 0 : i32
    %c0_i32_0 = arith.constant 0 : i32
    %c0_i32_1 = arith.constant 0 : i32
    return %c0_i32, %c0_i32_0 : i32, i32
  }
  func.func @transform_3(%arg0: i32) -> (i32, i32) {
    %c0_i32 = arith.constant 0 : i32
    %c0_i32_0 = arith.constant 0 : i32
    %c0_i32_1 = arith.constant 0 : i32
    return %c0_i32, %c0_i32_0 : i32, i32
  }
}

module attributes {stable_mosaic.version = 14 : i64} {
  func.func @_bn_main_kernel(%arg0: i32, %arg1: memref<2048x128xf32, #tpu.memory_space<vmem>>, %arg2: memref<128x3xf32, #tpu.memory_space<vmem>>, %arg3: memref<128x128xf32, #tpu.memory_space<vmem>>, %arg4: memref<8x128xf32, #tpu.memory_space<vmem>>, %arg5: memref<1x128xf32, #tpu.memory_space<vmem>>, %arg6: memref<1x128xf32, #tpu.memory_space<vmem>>, %arg7: memref<128x128xf32, #tpu.memory_space<vmem>>) attributes {dimension_semantics = [#tpu.dimension_semantics<arbitrary>], iteration_bounds = array<i64: 64>, scalar_prefetch = 0 : i64, scratch_operands = 0 : i64, tpu.core_type = #tpu.core_type<tc>, window_params = [{transform_indices = @transform_0, window_bounds = array<i64: 2048, 128>}, {transform_indices = @transform_1, window_bounds = array<i64: 128, 3>}, {pipeline_mode = #tpu.pipeline_mode<synchronous>, transform_indices = @transform_2, window_bounds = array<i64: 128, 128>}, {pipeline_mode = #tpu.pipeline_mode<synchronous>, transform_indices = @transform_3, window_bounds = array<i64: 8, 128>}, {pipeline_mode = #tpu.pipeline_mode<synchronous>, transform_indices = @transform_4, window_bounds = array<i64: 1, 128>}, {pipeline_mode = #tpu.pipeline_mode<synchronous>, transform_indices = @transform_5, window_bounds = array<i64: 1, 128>}, {transform_indices = @transform_6, window_bounds = array<i64: 128, 128>}]} {
    %get3A = arith.constant 0 : index
    %get3A_0 = arith.constant 0 : index
    %get3A_1 = vector.load %arg3[%get3A, %get3A_0] : memref<128x128xf32, #tpu.memory_space<vmem>>, vector<128x128xf32>
    %get3A_2 = arith.constant 0 : index
    %get3A_3 = arith.constant 0 : index
    %get3A_4 = vector.load %arg1[%get3A_2, %get3A_3] : memref<2048x128xf32, #tpu.memory_space<vmem>>, vector<2048x128xf32>
    %get3A_5 = arith.constant 0 : index
    %get3A_6 = arith.constant 0 : index
    %get3A_7 = vector.load %arg2[%get3A_5, %get3A_6] : memref<128x3xf32, #tpu.memory_space<vmem>>, vector<128x3xf32>
    %dot_general3A = arith.constant dense<0.000000e+00> : vector<2048x128xf32>
    %dot_general3A_8 = tpu.matmul %get3A_4, %get3A_1, %dot_general3A {dimension_numbers = #tpu.dot_dimension_numbers<[1], [0], [0], [1], [0, 0, 1, 1], [], []>, transpose_lhs_hint = false} : vector<2048x128xf32>, vector<128x128xf32>, vector<2048x128xf32> -> vector<2048x128xf32>
    %slice3A = vector.extract_strided_slice %get3A_1 {offsets = [0, 0], sizes = [3, 128], strides = [1, 1]} : vector<128x128xf32> to vector<3x128xf32>
    %dot_general3A_9 = arith.constant dense<0.000000e+00> : vector<128x128xf32>
    %dot_general3A_10 = tpu.matmul %get3A_7, %slice3A, %dot_general3A_9 {dimension_numbers = #tpu.dot_dimension_numbers<[1], [0], [0], [1], [0, 0, 1, 1], [], []>, transpose_lhs_hint = false} : vector<128x3xf32>, vector<3x128xf32>, vector<128x128xf32> -> vector<128x128xf32>
    %broadcast_in_dim3A = vector.shape_cast %dot_general3A_10 : vector<128x128xf32> to vector<128x1x128xf32>
    %broadcast_in_dim3A_11 = vector.shape_cast %broadcast_in_dim3A : vector<128x1x128xf32> to vector<128x1x128xf32>
    %broadcast_in_dim3A_12 = vector.broadcast %broadcast_in_dim3A_11 : vector<128x1x128xf32> to vector<128x16x128xf32>
    %reshape3A = vector.shape_cast %broadcast_in_dim3A_12 : vector<128x16x128xf32> to vector<2048x128xf32>
    %sub3A = arith.subf %dot_general3A_8, %reshape3A : vector<2048x128xf32>
    %get3A_13 = arith.constant 0 : index
    %get3A_14 = arith.constant 0 : index
    %get3A_15 = vector.load %arg4[%get3A_13, %get3A_14] : memref<8x128xf32, #tpu.memory_space<vmem>>, vector<1x128xf32>
    %mul3A = arith.constant 7.62939453E-6 : f32
    %mul3A_16 = vector.broadcast %mul3A : f32 to vector<1x128xf32>
    %mul3A_17 = arith.mulf %get3A_15, %mul3A_16 : vector<1x128xf32>
    %get3A_18 = arith.constant 1 : index
    %get3A_19 = arith.constant 0 : index
    %get3A_20 = vector.load %arg4[%get3A_18, %get3A_19] : memref<8x128xf32, #tpu.memory_space<vmem>>, vector<1x128xf32>
    %mul3A_21 = arith.constant 7.62939453E-6 : f32
    %mul3A_22 = vector.broadcast %mul3A_21 : f32 to vector<1x128xf32>
    %mul3A_23 = arith.mulf %get3A_20, %mul3A_22 : vector<1x128xf32>
    %mul3A_24 = arith.mulf %mul3A_17, %mul3A_17 : vector<1x128xf32>
    %sub3A_25 = arith.subf %mul3A_23, %mul3A_24 : vector<1x128xf32>
    %get3A_26 = arith.constant 0 : index
    %get3A_27 = arith.constant 0 : index
    %get3A_28 = vector.load %arg5[%get3A_26, %get3A_27] : memref<1x128xf32, #tpu.memory_space<vmem>>, vector<1x128xf32>
    %add3A = arith.constant 9.99999974E-6 : f32
    %add3A_29 = vector.broadcast %add3A : f32 to vector<1x128xf32>
    %add3A_30 = arith.addf %sub3A_25, %add3A_29 : vector<1x128xf32>
    %sqrt3A = math.sqrt %add3A_30 : vector<1x128xf32>
    %div3A = arith.divf %get3A_28, %sqrt3A : vector<1x128xf32>
    %get3A_31 = arith.constant 0 : index
    %get3A_32 = arith.constant 0 : index
    %get3A_33 = vector.load %arg6[%get3A_31, %get3A_32] : memref<1x128xf32, #tpu.memory_space<vmem>>, vector<1x128xf32>
    %mul3A_34 = arith.mulf %mul3A_17, %div3A : vector<1x128xf32>
    %sub3A_35 = arith.subf %get3A_33, %mul3A_34 : vector<1x128xf32>
    %mul3A_36 = vector.broadcast %div3A : vector<1x128xf32> to vector<2048x128xf32>
    %mul3A_37 = arith.mulf %sub3A, %mul3A_36 : vector<2048x128xf32>
    %add3A_38 = vector.broadcast %sub3A_35 : vector<1x128xf32> to vector<2048x128xf32>
    %add3A_39 = arith.addf %mul3A_37, %add3A_38 : vector<2048x128xf32>
    %max3A = arith.constant 0.000000e+00 : f32
    %max3A_40 = vector.broadcast %max3A : f32 to vector<2048x128xf32>
    %max3A_41 = arith.maximumf %add3A_39, %max3A_40 : vector<2048x128xf32>
    %reshape3A_42 = vector.shape_cast %max3A_41 : vector<2048x128xf32> to vector<128x16x128xf32>
    %reduce_max3A = arith.constant dense<0xFF800000> : vector<128x128xf32>
    %reduce_max3A_43 = vector.multi_reduction <maximumf>, %reshape3A_42, %reduce_max3A [1] : vector<128x16x128xf32> to vector<128x128xf32>
    %swap3A = arith.constant 0 : index
    %swap3A_44 = arith.constant 0 : index
    %swap3A_45 = vector.load %arg7[%swap3A, %swap3A_44] : memref<128x128xf32, #tpu.memory_space<vmem>>, vector<128x128xf32>
    tpu.vector_store %arg7[%swap3A, %swap3A_44], %reduce_max3A_43 {strides = array<i32>} : memref<128x128xf32, #tpu.memory_space<vmem>>, vector<128x128xf32>,
    return
  }
  func.func @transform_0(%arg0: i32) -> (i32, i32) {
    %c0_i32 = arith.constant 0 : i32
    %c0_i32_0 = arith.constant 0 : i32
    return %arg0, %c0_i32 : i32, i32
  }
  func.func @transform_1(%arg0: i32) -> (i32, i32) {
    %c0_i32 = arith.constant 0 : i32
    %c0_i32_0 = arith.constant 0 : i32
    return %arg0, %c0_i32 : i32, i32
  }
  func.func @transform_2(%arg0: i32) -> (i32, i32) {
    %c0_i32 = arith.constant 0 : i32
    %c0_i32_0 = arith.constant 0 : i32
    %c0_i32_1 = arith.constant 0 : i32
    return %c0_i32, %c0_i32_0 : i32, i32
  }
  func.func @transform_3(%arg0: i32) -> (i32, i32) {
    %c0_i32 = arith.constant 0 : i32
    %c0_i32_0 = arith.constant 0 : i32
    %c0_i32_1 = arith.constant 0 : i32
    return %c0_i32, %c0_i32_0 : i32, i32
  }
  func.func @transform_4(%arg0: i32) -> (i32, i32) {
    %c0_i32 = arith.constant 0 : i32
    %c0_i32_0 = arith.constant 0 : i32
    %c0_i32_1 = arith.constant 0 : i32
    return %c0_i32, %c0_i32_0 : i32, i32
  }
  func.func @transform_5(%arg0: i32) -> (i32, i32) {
    %c0_i32 = arith.constant 0 : i32
    %c0_i32_0 = arith.constant 0 : i32
    %c0_i32_1 = arith.constant 0 : i32
    return %c0_i32, %c0_i32_0 : i32, i32
  }
  func.func @transform_6(%arg0: i32) -> (i32, i32) {
    %c0_i32 = arith.constant 0 : i32
    %c0_i32_0 = arith.constant 0 : i32
    return %arg0, %c0_i32 : i32, i32
  }
}

</mosaic_0001>

<sc_bundles>
// kernel: kernel.7.cloned.1.call-start
scs
__scs_entry_jumppad:
0x0: {  	(pc) =	sbr.rel $0x88, $3  }
0x1: {  	(tag) =	ssettag $0x0;
	lr =	simm.s32 $0x1  }
0x2: {  	[smem:$0x3F9C] =	sst lr;
	_ =	strace $0xD0000000  }
0x3: {  	_ = 	snop  }
0x4: {  	_ = 	snop  }
0x5: {  	_ = 	snop  }
0x6: {  	_ = 	snop  }
0x7: {  	_ = 	snop  }
__scs_overlays_trampoline_lowered:
0x8: {  	[smem:$0x3FAB] =	sst s0  }
0x9: {  	[smem:$0x3FAC] =	sst s1  }
0xa: {  	[smem:$0x3FAD] =	sst s2  }
0xb: {  	[smem:$0x3FAE] =	sst s3  }
0xc: {  	[smem:$0x3FAF] =	sst s4  }
0xd: {  	[smem:$0x3FB0] =	sst s5  }
0xe: {  	[smem:$0x3FB1] =	sst s6  }
0xf: {  	[smem:$0x3FB2] =	sst s7  }
0x10: {  	[smem:$0x3FB3] =	sst s8  }
0x11: {  	[smem:$0x3FB4] =	sst s9;
	s0 =	simm.s32 @!p0 $0x0  }
0x12: {  	s1 =	sld [smem:$0x3F9A];
	s0 =	simm.s32 @p0 $0x1  }
0x13: {  	[smem:$0x3FB5] =	sst s0;
	s0 =	simm.s32 @!p1 $0x0  }
0x14: {  	s2 =	sld [smem:$0x3F99];
	s0 =	simm.s32 @p1 $0x1  }
0x15: {  	[smem:$0x3FB6] =	sst s0;
	s0 =	simm.s32 @!p2 $0x0  }
0x16: {  	s3 =	sld [smem:$0x3FDB];
	s0 =	simm.s32 @p2 $0x1  }
0x17: {  	s4 =	simm.s32 $0x1BF5;
	[smem:$0x3FB8] =	sst s0  }
0x18: {  	s0 =	sld [smem:$0x3F9B];
	_ =	swait.ge [sflag:s4], $0x0  }
0x19: {  	s7 =	sld [smem:$0x3F9C]  }
0x1a: {  	s8 =	sadd.s32 $0xFFFFE003, lr  }
0x1b: {  	s9 =	sadd.s32 $0xFFFFFEF7, lr;
	s5 =	simm.s32 $0xFFFFFFFF;
	p2 =	slt.u32 s8, $0xFFFFF086  }
0x1c: {  	p1 =	slt.u32 s9, $0xF7A;
	s5 =	simm.s32 @!p2 $0x0  }
0x1d: {  	s5 =	simm.s32 @p1 $0x1;
	p0 =	seq.s32 s7, s2  }
0x1e: {  	s7 =	smul.u32 @!p0 $0xF7A, s2;
	p2 =	seq.s32 @!p0 s5, $0x0  }
0x1f: {  	s9 =	smul.u32 $0xF7A, s1;
	s8 =	simm.s32 @!p0 $0x1BF5;
	p2 =	por !p2, p0  }
0x20: {  	[sflag:s8] =	ssyncset.s32 @!p0 $0xFFFFF086;
	s6 =	sadd.s32 @!p0 s3, s7;
	s7 =	simm.s32 @!p0 $0x108  }
0x21: {  	s3 =	sadd.s32 s3, s9;
	s6 =	sadd.s32 @!p0 $0x88, s6;
	s7 =	simm.s32 @p2 $0x1082  }
0x22: {  	[simem:s7], [sflag:s8] =	dma.local @!p0 [hbm:s6], $0xF7A  }
0x23: {  	s9 =	sor.u32 $0xD0000000, s2;
	s6 =	simm.s32 $0x108;
	_ =	swait.ge @!p0 [sflag:s8], $0x0  }
0x24: {  	s3 =	sadd.s32 $0x88, s3;
	s6 =	simm.s32 @!p1 $0x1082;
	[sflag:s4] =	ssyncset.s32 $0xFFFFF086  }
0x25: {  	[simem:s6], [sflag:s4] =	dma.local [hbm:s3], $0xF7A  }
0x26: {  	[smem:$0x3F9C] =	sst s1;
	(tag) =	ssettag s2;
	_ =	strace s9  }
0x27: {  	s1 =	sld [smem:$0x3FAC]  }
0x28: {  	s2 =	sld [smem:$0x3FAD]  }
0x29: {  	s4 =	sld [smem:$0x3FAF]  }
0x2a: {  	p0 =	seq.s32 s5, $0x0;
	s5 =	sld [smem:$0x3FB0]  }
0x2b: {  	s6 =	sld [smem:$0x3FB1]  }
0x2c: {  	s7 =	sld [smem:$0x3FB2]  }
0x2d: {  	s3 =	simm.s32 $0x108;
	s8 =	sld [smem:$0x3FB3]  }
0x2e: {  	s3 =	simm.s32 @!p0 $0x1082;
	s9 =	sld [smem:$0x3FB4]  }
0x2f: {  	lr =	sadd.s32 s0, s3;
	s0 =	sld [smem:$0x3FAB]  }
0x30: {  	s3 =	sld [smem:$0x3FAE]  }
0x31: {  	[smem:$0x3FB7] =	sst s10  }
0x32: {  	s10 =	sld [smem:$0x3FB5];
	_ =	sdelay $0x3  }
0x33: {  	p0 =	seq.s32 s10, $0x1;
	s10 =	sld [smem:$0x3FB7];
	_ =	sdelay $0x3  }
0x34: {  	[smem:$0x3FB7] =	sst s10  }
0x35: {  	s10 =	sld [smem:$0x3FB6];
	_ =	sdelay $0x3  }
0x36: {  	p1 =	seq.s32 s10, $0x1;
	s10 =	sld [smem:$0x3FB7];
	_ =	sdelay $0x3  }
0x37: {  	[smem:$0x3FB7] =	sst s10  }
0x38: {  	s10 =	sld [smem:$0x3FB8]  }
0x39: {  	_ = 	snop;
	(pc) =	sbr.ind lr, $3  }
0x3a: {  	_ = 	snop  }
0x3b: {  	_ = 	snop  }
0x3c: {  	p2 =	seq.s32 s10, $0x1;
	s10 =	sld [smem:$0x3FB7]  }
0x3d: {  	_ =	shalt  }
0x3e: {  	_ =	shalt  }
0x3f: {  	_ =	shalt  }
0x40: {  	_ =	shalt  }
0x41: {  	_ =	shalt  }
0x42: {  	_ =	shalt  }
0x43: {  	_ =	shalt  }
0x44: {  	_ =	shalt  }
0x45: {  	_ =	shalt  }
0x46: {  	_ =	shalt  }
0x47: {  	_ =	shalt  }
0x48: {  	_ =	shalt  }
0x49: {  	_ =	shalt  }
0x4a: {  	_ =	shalt  }
0x4b: {  	_ =	shalt  }
0x4c: {  	_ =	shalt  }
0x4d: {  	_ =	shalt  }
0x4e: {  	_ =	shalt  }
0x4f: {  	_ =	shalt  }
0x50: {  	_ =	shalt  }
0x51: {  	_ =	shalt  }
0x52: {  	_ =	shalt  }
0x53: {  	_ =	shalt  }
0x54: {  	_ =	shalt  }
0x55: {  	_ =	shalt  }
0x56: {  	_ =	shalt  }
0x57: {  	_ =	shalt  }
0x58: {  	_ =	shalt  }
0x59: {  	_ =	shalt  }
0x5a: {  	_ =	shalt  }
0x5b: {  	_ =	shalt  }
0x5c: {  	_ =	shalt  }
0x5d: {  	_ =	shalt  }
0x5e: {  	_ =	shalt  }
0x5f: {  	_ =	shalt  }
0x60: {  	_ =	shalt  }
0x61: {  	_ =	shalt  }
0x62: {  	_ =	shalt  }
0x63: {  	_ =	shalt  }
0x64: {  	_ =	shalt  }
0x65: {  	_ =	shalt  }
0x66: {  	_ =	shalt  }
0x67: {  	_ =	shalt  }
0x68: {  	_ =	shalt  }
0x69: {  	_ =	shalt  }
0x6a: {  	_ =	shalt  }
0x6b: {  	_ =	shalt  }
0x6c: {  	_ =	shalt  }
0x6d: {  	_ =	shalt  }
0x6e: {  	_ =	shalt  }
0x6f: {  	_ =	shalt  }
0x70: {  	_ =	shalt  }
0x71: {  	_ =	shalt  }
0x72: {  	_ =	shalt  }
0x73: {  	_ =	shalt  }
0x74: {  	_ =	shalt  }
0x75: {  	_ =	shalt  }
0x76: {  	_ =	shalt  }
0x77: {  	_ =	shalt  }
0x78: {  	_ =	shalt  }
0x79: {  	_ =	shalt  }
0x7a: {  	_ =	shalt  }
0x7b: {  	_ =	shalt  }
0x7c: {  	_ =	shalt  }
0x7d: {  	_ =	shalt  }
0x7e: {  	_ =	shalt  }
0x7f: {  	_ =	shalt  }
0x80: {  	_ =	shalt  }
0x81: {  	_ =	shalt  }
0x82: {  	_ =	shalt  }
0x83: {  	_ =	shalt  }
0x84: {  	_ =	shalt  }
0x85: {  	_ =	shalt  }
0x86: {  	_ =	shalt  }
0x87: {  	_ =	shalt  }
.Lfunc_end0:
.L_simem_size_0:
called_computation_lowered:
.L_overlay_start_0:
0x88: {  	s2 =	sld [smem:$0x3FD9]  }
0x89: {  	s3 =	sld [smem:$0x3FFE];
	_ =	sdelay $0x1  }
0x8a: {  	s1 =	srdreg.scid  }
0x8b: {  	s0 =	sand.u32 $0x1, s1  }
0x8c: {  	s14 =	sshll.u32 s0, $0xA;
	s2 =	sadd.s32 s3, s2  }
0x8d: {  	s2 =	sadd.s32 s2, s14  }
0x8e: {  	[smem:$0x3FC3] =	sst s2  }
0x8f: {  	_ = 	snop  }
0x90: {  	s2 =	sld [smem:$0x3FD0];
	_ =	sdelay $0x2  }
0x91: {  	s15 =	simm.s32 $0xA;
	s4 =	simm.s32 $0x10  }
0x92: {  	[smem:s4], [sflag:s15] =	dma.local [hbm:s2], $0x1  }
0x93: {  	_ =	swait.eq [sflag:s15], $0x1  }
0x94: {  	[sflag:s15] =	ssyncset.done $0x0  }
0x95: {  	[sflag:s15] =	ssyncadd.s32 $0xFFFFFFFF  }
0x96: {  	s16 =	sld [smem:$0x11];
	(tm) =	ssettm $0x1  }
0x97: {  	s17 =	sld [smem:$0x3FFB];
	_ =	sdelay $0x3  }
0x98: {  	_ =	strace s17  }
0x99: {  	s3 =	sld [smem:$0x3FFC];
	_ =	sdelay $0x3  }
0x9a: {  	_ =	strace s3  }
0x9b: {  	s3 =	sld [smem:$0x3FFD];
	_ =	sdelay $0x3  }
0x9c: {  	_ =	strace s3  }
0x9d: {  	_ =	strace $0x8FFFFFFF  }
0x9e: {  	s18 =	sld [smem:$0x3FDB];
	_ =	sdelay $0x1  }
0x9f: {  	s19 =	simm.s32 $_scs_section_size  }
0xa0: {  	s5 =	simm.s32 $_size__tile_overlayer_lowered;
	s6 =	simm.s32 $_tile_overlayer_lowered  }
0xa1: {  	s22 =	simm.s32 $0x1BFF;
	s21 =	sshll.u32 s6, $0x1;
	s3 =	sadd.s32 s19, s18  }
0xa2: {  	s7 =	simm.s32 $0x0;
	s20 =	sshll.u32 s5, $0x1;
	s5 =	sadd.s32 s21, s3  }
0xa3: {  	[timem:s7], [sflag:s22] =	dma.local [hbm:s5], s20  }
0xa4: {  	_ =	swait.ge [sflag:s22], s20  }
0xa5: {  	s4 =	ssub.s32 $0x0, s20;
	[sflag:s22] =	ssyncset.done $0x0  }
0xa6: {  	[sflag:s22] =	ssyncadd.s32 s4;
	_ =	sdelay $0x1  }
0xa7: {  	s23 =	simm.s32 $0x1B8B  }
0xa8: {  	_ =	swait.ge [sflag:s23], $0x1  }
0xa9: {  	[sflag:s23] =	ssyncset.done $0x0  }
0xaa: {  	s25 =	simm.s32 $0x1B8E;
	s24 =	sld [smem:$0x3FFE];
	[sflag:s23] =	ssyncadd.s32 $0xFFFFFFFF  }
0xab: {  	s26 =	simm.s32 $execute0_lowered;
	[smem:$0x3FD2] =	sst s25  }
0xac: {  	s5 =	sshll.u32 s26, $0x1;
	_ =	strace $0x80000046;
	[dreg:$0x1] =	wrdreg $0xFFFFFFFF  }
0xad: {  	s28 =	simm.s32 $_size_execute0_lowered;
	s3 =	sadd.s32 s3, s5;
	[dreg:$0x0] =	wrdreg $0x0  }
0xae: {  	s5 =	sshll.u32 s28, $0x1;
	[dreg:$0x2] =	wrdreg s3  }
0xaf: {  	[dreg:$0x3] =	wrdreg s5  }
0xb0: {  	[dreg:$0x4] =	wrdreg $0xC0  }
0xb1: {  	_ =	task [dreg:s7], $0x5FFFF  }
0xb2: {  	[dreg:$0x1] =	wrdreg $0xFFFFFFFF  }
0xb3: {  	[dreg:$0x0] =	wrdreg $0x60  }
0xb4: {  	[dreg:$0x2] =	wrdreg s24  }
0xb5: {  	[dreg:$0x3] =	wrdreg s16  }
0xb6: {  	[dreg:$0x4] =	wrdreg $0x9  }
0xb7: {  	_ =	task.clear_ibuf [dreg:s7], $0x5FFFF;
	_ =	strace $0x90000046  }
0xb8: {  	s29 =	simm.s32 $0x9;
	_ =	strace $0x80000048  }
0xb9: {  	_ =	swait.ge [sflag:s29], $0x1  }
0xba: {  	[sflag:s29] =	ssyncadd.s32 $0xFFFFFFFF  }
0xbb: {  	_ =	strace $0x90000048  }
0xbc: {  	_ =	sfence  }
0xbd: {  	s30 =	sld [smem:$0x0];
	_ =	sdelay $0x2  }
0xbe: {  	s31 =	sshll.u32 s1, $0xD;
	s1 =	sshrl.u32 s1, $0x2  }
0xbf: {  	s3 =	sand.u32 $0x4000, s31;
	s1 =	sadd.s32 s1, s30  }
0xc0: {  	s0 =	sor.u32 s3, s0;
	s1 =	sshll.u32 s1, $0x11  }
0xc1: {  	s0 =	sor.u32 s1, s0  }
0xc2: {  	s0 =	sadd.s32 $0x8F2B, s0  }
0xc3: {  	[sflag:s0] =	ssyncadd.remote.s32 $0x1  }
0xc4: {  	_ =	sfence.sel $0xFFFF  }
0xc5: {  	[dreg:$0x0] =	wrdreg $0xFFFFFFFF;
	(pc) =	sbr.abs _section_cstart, $3  }
0xc6: {  	[dreg:$0x1] =	wrdreg $0xFFFFFFFF  }
0xc7: {  	_ =	task.clear_ibuf [dreg:s7], $0x2FFFF;
	_ =	strace $0x9FFFFFFF  }
0xc8: {  	(tm) =	ssettm $0x7FFFFFFF  }
0xc9: {  	_ =	shalt  }
tec
execute0_lowered:
.L_overlay_start_1:
0x0: {  	(tag) =	ssettag $0x1  }
0x1: {  	s4 =	rddreg [dreg:$0x0]  }
0x2: {  	s6 =	rddreg [dreg:$0x1]  }
0x3: {  	s0 =	rddreg [dreg:$0x2];
	s2 =	simm.s32 $0x0;
	s1 =	stileid.u32  }
0x4: {  	s3 =	srdreg.scid;
	[smem:$0x7FF] =	sst s2  }
0x5: {  	s5 =	sshll.u32 s1, $0x11;
	s7 =	sand.u32 $0x1, s3;
	s3 =	sadd.s32 $0x1400, s4  }
0x6: {  	s9 =	sshll.u32 s1, $0xD;
	_ =	strace $0x80000047;
	s5 =	sadd.s32 s5, s4  }
0x7: {  	s29 =	ssub.s32 $0x2, s7;
	s10 =	sshll.u32 s7, $0xC;
	s7 =	sshll.u32 s7, $0x10  }
0x8: {  	s8 =	sshrl.u32 s29, $0x1;
	s30 =	sor.u32 s10, s9;
	s5 =	sadd.s32 s7, s5  }
0x9: {  	s7 =	simm.s32 $0x2;
	s9 =	simm.s32 $0x1;
	s10 =	simm.s32 $0x0  }
0xa: {  	s4 =	ssub.s32 s29, s8;
	s31 =	sshrl.u32 s30, $0x3;
	s5 =	sadd.s32 $0x81400, s5  }
0xb: {  	s8 =	simm.s32 $0x80;
	s4 =	smax.u32 s4, $0x1;
	s6 =	sadd.s32 s31, s6  }
.LBB2_1:
0xc: {  	s11 =	sadd.s32 $0x0, s6  }
0xd: {  	[tilespmem:s2], [sflag:$0x2] =	stream.linear.gather [hbm4b:s11+s2], $0x80, $0x38;
	[tilespmem:$0x4080] =	vst v63  }
0xe: {  	_ =	swait.ge [sflag:s7], $0x80  }
0xf: {  	[sflag:s7] =	ssyncset.done $0x0  }
0x10: {  	[sflag:s7] =	ssyncadd.s32 $0xFFFFFF80  }
0x11: {  	[tilespmem:s8], [sflag:$0x1] =	stream.indirect.gather [hbm4b:s3+s8], $0x80, s2, s8, $0xb8;
	[tilespmem:$0x4080] =	vst v63  }
0x12: {  	_ =	swait.ge [sflag:s9], $0x4000  }
0x13: {  	[sflag:s9] =	ssyncset.done $0x0  }
0x14: {  	[sflag:s9] =	ssyncadd.s32 $0xFFFFC000  }
0x15: {  	[hbm4b:s5+s2] =	stream.linear.scatter [tilespmem:s8], [sflag:$0x2], $0x4000, $0x38;
	[tilespmem:$0x4080] =	vst v63  }
0x16: {  	s12 =	simm.s32 $0x10;
	_ =	swait.ge [sflag:s7], $0x4000  }
0x17: {  	s13 =	simm.s32 $0x20;
	s11 =	sadd.s32 $0x800, s5;
	[sflag:s7] =	ssyncset.done $0x0  }
.LBB2_2:
0x18: {  	s14 =	sadd.s32 s12, s6  }
0x19: {  	[sflag:s7] =	ssyncadd.s32 $0xFFFFC000;
	s12 =	smov.u32 s13;
	s15 =	sadd.s32 $0x10, s13  }
0x1a: {  	[tilespmem:s2], [sflag:$0x2] =	stream.linear.gather [hbm4b:s14+s2], $0x80, $0x38;
	[tilespmem:$0x4080] =	vst v63  }
0x1b: {  	p0 =	sne.s32 s13, $0x1F0;
	_ =	swait.ge [sflag:s7], $0x80  }
0x1c: {  	[sflag:s7] =	ssyncset.done $0x0  }
0x1d: {  	[sflag:s7] =	ssyncadd.s32 $0xFFFFFF80  }
0x1e: {  	[tilespmem:s8], [sflag:$0x1] =	stream.indirect.gather [hbm4b:s3+s8], $0x80, s2, s8, $0xb8;
	[tilespmem:$0x4080] =	vst v63  }
0x1f: {  	_ =	swait.ge [sflag:s9], $0x4000  }
.Ltmp0:
0x20: {  	[sflag:s9] =	ssyncset.done $0x0;
	(pc) =	sbr.rel @p0 .LBB2_2-.Ltmp0, $4  }
0x21: {  	[sflag:s9] =	ssyncadd.s32 $0xFFFFC000  }
0x22: {  	[hbm4b:s11+s2] =	stream.linear.scatter [tilespmem:s8], [sflag:$0x2], $0x4000, $0x38;
	[tilespmem:$0x4080] =	vst v63  }
0x23: {  	_ =	swait.ge [sflag:s7], $0x4000  }
0x24: {  	s13 =	smov.u32 s15;
	s11 =	sadd.s32 $0x800, s11;
	[sflag:s7] =	ssyncset.done $0x0  }
0x25: {  	s12 =	sadd.s32 s12, s6;
	[sflag:s7] =	ssyncadd.s32 $0xFFFFC000  }
0x26: {  	[tilespmem:s2], [sflag:$0x2] =	stream.linear.gather [hbm4b:s12+s2], $0x80, $0x38;
	[tilespmem:$0x4080] =	vst v63  }
0x27: {  	_ =	swait.ge [sflag:s7], $0x80  }
0x28: {  	[sflag:s7] =	ssyncset.done $0x0  }
0x29: {  	[sflag:s7] =	ssyncadd.s32 $0xFFFFFF80  }
0x2a: {  	[tilespmem:s8], [sflag:$0x1] =	stream.indirect.gather [hbm4b:s3+s8], $0x80, s2, s8, $0xb8;
	[tilespmem:$0x4080] =	vst v63  }
0x2b: {  	s10 =	sadd.s32 $0x1, s10;
	_ =	swait.ge [sflag:s9], $0x4000  }
0x2c: {  	p0 =	sne.s32 s10, s4;
	[sflag:s9] =	ssyncset.done $0x0  }
.Ltmp1:
0x2d: {  	[sflag:s9] =	ssyncadd.s32 $0xFFFFC000;
	(pc) =	sbr.rel @p0 .LBB2_1-.Ltmp1, $4  }
0x2e: {  	[hbm4b:s11+s2] =	stream.linear.scatter [tilespmem:s8], [sflag:$0x2], $0x4000, $0x38;
	[tilespmem:$0x4080] =	vst v63  }
0x2f: {  	_ =	swait.ge [sflag:s7], $0x4000  }
0x30: {  	[sflag:s7] =	ssyncset.done $0x0  }
0x31: {  	[sflag:s7] =	ssyncadd.s32 $0xFFFFC000  }
0x32: {  	_ =	sfence.sel $0x180000  }
0x33: {  	[bflag:$0x0] =	sbarrier.arrive $0xFFFF  }
0x34: {  	p0 =	sne.s32 s1, $0x0;
	_ =	strace $0x90000047  }
0x35: {  	s0 =	sadd.s32 @!p0 $0x100000, s0;
	[bflag:$0x2] =	sbarrier.arrive $0xFFFF  }
0x36: {  	[sflag:s0] =	ssyncadd.tile.s32 @!p0 $0x1;
	_ =	shalt  }
.Lfunc_end2:
_tile_overlayer_lowered:
.L_overlay_start_2:
0x37: {  	(tag) =	ssettag $0x2  }
0x38: {  	s0 =	rddreg [dreg:$0x0];
	s2 =	stileid.u32  }
0x39: {  	s1 =	rddreg [dreg:$0x1];
	p0 =	sne.s32 s2, $0x0  }
0x3a: {  	s3 =	rddreg [dreg:$0x2];
	[bflag:$0x3] =	sbarrier.arrive $0xFFFF;
	s2 =	simm.s32 @!p0 $0x1C02  }
0x3b: {  	[timem:s3], [sflag:s2] =	dma.local @!p0 [hbm:s0], s1  }
0x3c: {  	s0 =	simm.s32 @!p0 $0x2  }
0x3d: {  	_ =	swait.ge @!p0 [sflag:s0], s1  }
0x3e: {  	s1 =	ssub.s32 @!p0 $0x0, s1;
	[sflag:s0] =	ssyncset.done @!p0 $0x0  }
0x3f: {  	[sflag:s0] =	ssyncadd.s32 @!p0 s1  }
0x40: {  	[bflag:$0x3] =	sbarrier.arrive $0xFFFF  }
0x41: {  	_ =	shalt  }

</sc_bundles>
